<compile_context>
chip_gen: v7x
topology: tpu7x:2x2x1
jax: 0.10.2.dev20260603
libtpu: 0.0.44.dev20260713+nightly
codegen_flags: <defaults>
</compile_context>

<pallas_src>
import functools

import jax
import jax.numpy as jnp
from jax import lax
from jax.experimental import pallas as pl
from jax.experimental.pallas import tpu as pltpu
from jax.experimental.pallas import tpu_sc as plsc

_EMB_DIM = 64
_NB = 16384
_NJ = 20
_B = _NB * _NJ

_info = plsc.get_sparse_core_info()
_NC, _NS = _info.num_cores, _info.num_subcores
_NW = _NC * _NS
_B_PER_W = _B // _NW

_CH = 256
_NSLOT = 3
_N_CH = _B_PER_W // _CH
_N_IT = (_N_CH - 1) // 3


def _gather_body(x_hbm, t_hbm, out_hbm, idx_v, rows, gsem, wsem):
    wid = lax.axis_index("s") * _NC + lax.axis_index("c")
    base = wid * _B_PER_W

    pltpu.sync_copy(x_hbm.at[pl.ds(base, _B_PER_W)], idx_v)

    def idx_slice(i):
        return idx_v.at[pl.ds(pl.multiple_of(i * _CH, 8), _CH)]

    def fire_g(i, s):
        pltpu.async_copy(t_hbm.at[idx_slice(i)], rows.at[s], gsem.at[s])

    def wait_g(i, s):
        pltpu.make_async_copy(
            t_hbm.at[idx_slice(i)], rows.at[s], gsem.at[s]).wait()

    def fire_w(i, s):
        off = pl.multiple_of(base + i * _CH, 8)
        pltpu.async_copy(rows.at[s], out_hbm.at[pl.ds(off, _CH)], wsem.at[s])

    def drain_w(s):
        pltpu.make_async_copy(
            rows.at[s], out_hbm.at[pl.ds(0, _CH)], wsem.at[s]).wait()

    fire_g(0, 0)
    fire_g(1, 1)

    def iteration(t, carry):
        for j in range(3):
            i = 3 * t + 1 + j
            wait_g(i - 1, j)
            fire_w(i - 1, j)
            if j == 0:
                @pl.when(t > 0)
                def _():
                    drain_w((j + 2) % 3)
            else:
                drain_w((j + 2) % 3)
            if j == 2:
                @pl.when(t < _N_IT - 1)
                def _():
                    fire_g(i + 1, (j + 2) % 3)
            else:
                fire_g(i + 1, (j + 2) % 3)
        return carry

    lax.fori_loop(0, _N_IT, iteration, 0)

    drain_w(2)
    last = _N_CH - 1
    wait_g(last, last % _NSLOT)
    fire_w(last, last % _NSLOT)
    drain_w(last % _NSLOT)


def _make_gather():
    mesh = plsc.VectorSubcoreMesh(core_axis_name="c", subcore_axis_name="s")
    out_type = jax.ShapeDtypeStruct((_B, _EMB_DIM), jnp.float32)
    scratch = [
        pltpu.VMEM((_B_PER_W,), jnp.int32),
        pltpu.VMEM((_NSLOT, _CH, _EMB_DIM), jnp.float32),
        pltpu.SemaphoreType.DMA((_NSLOT,)),
        pltpu.SemaphoreType.DMA((_NSLOT,)),
    ]
    return functools.partial(
        pl.kernel,
        out_type=out_type,
        mesh=mesh,
        scratch_types=scratch,
        compiler_params=pltpu.CompilerParams(use_tc_tiling_on_sc=False),
    )(_gather_body)


def kernel(x, L, R):
    x_flat = x.reshape(-1)
    g = _make_gather()
    l_flat = g(x_flat, L)
    r_flat = g(x_flat, R)
    shape = x.shape + (_EMB_DIM,)
    return (l_flat.reshape(shape), r_flat.reshape(shape))

# --- scband reference (transcript-rebuilt; emitter-appended) ---
"""Pipeline reference for scband-wys-90486370992432 (READ-ONLY COPY).

The authoritative reference and input builder live on the scoring server;
editing this copy changes nothing except your own understanding.
"""

import jax, jax.numpy as jnp
import numpy as np

NUM_NODES = 1000000
EMB_DIM = 64  # note: original code overwrites L.weight/R.weight with full emb_dim, not emb_dim//2


def setup_inputs(seed: int = 0) -> dict:
    key = jax.random.key(seed)
    k1, k2, k3 = jax.random.split(key, 3)
    x = jax.random.randint(k1, (16384, 20), 0, NUM_NODES, dtype=jnp.int32)
    L = jax.random.uniform(k2, (NUM_NODES, EMB_DIM), dtype=jnp.float32, minval=-0.01, maxval=0.01)
    R = jax.random.uniform(k3, (NUM_NODES, EMB_DIM), dtype=jnp.float32, minval=-0.01, maxval=0.01)
    return {"x": x, "L": L, "R": R}


def reference(x, L, R):
    # forward(x) -> (self.L(x), self.R(x)) : two embedding gathers
    l = jnp.take(L, x, axis=0)
    r = jnp.take(R, x, axis=0)
    return (l, r)

if __name__ == "__main__":
    import jax
    _d = setup_inputs()
    print(jax.jit(kernel)(*tuple(_d.values())))

</pallas_src>

<mosaic_0001>
#map = affine_map<(d0, d1) -> (0)>
#map1 = affine_map<(d0, d1) -> (0, 0)>
module attributes {stable_mosaic.version = 14 : i64} {
  func.func @_gather_body(%arg0: i32, %arg1: i32, %arg2: memref<327680xi32, #tpu.memory_space<hbm>>, %arg3: memref<1000000x64xf32, #tpu.memory_space<hbm>>, %arg4: memref<327680x64xf32, #tpu.memory_space<hbm>>, %arg5: memref<10240xi32, #tpu.memory_space<vmem>>, %arg6: memref<3x256x64xf32, #tpu.memory_space<vmem>>, %arg7: memref<3x!tpu.dma_semaphore, #tpu.memory_space<semaphore_mem>>, %arg8: memref<3x!tpu.dma_semaphore, #tpu.memory_space<semaphore_mem>>) attributes {dimension_semantics = [#tpu.dimension_semantics<core_parallel>, #tpu.dimension_semantics<subcore_parallel>], iteration_bounds = array<i64: 2, 16>, scalar_prefetch = 0 : i64, scratch_operands = 4 : i64, tpu.core_type = #tpu.core_type<sc_vector_subcore>, window_params = [{transform_indices = #map}, {transform_indices = #map1}, {transform_indices = #map1}]} {
    %mul3A = arith.constant 2 : i32
    %mul3A_0 = arith.muli %arg1, %mul3A : i32
    %add3A = arith.addi %mul3A_0, %arg0 : i32
    %mul3A_1 = arith.constant 10240 : i32
    %mul3A_2 = arith.muli %add3A, %mul3A_1 : i32
    "tpu.region"() ({
      %run_scoped3A = tpu.sem_alloc : memref<!tpu.dma_semaphore, #tpu.memory_space<semaphore_mem>>
      %dma_start3A_102 = tpu.memref_slice %arg2[%mul3A_2] : memref<327680xi32, #tpu.memory_space<hbm>> -> memref<10240xi32, #tpu.memory_space<hbm>>
      %dma_start3A_103 = tpu.memref_slice %arg2[%mul3A_2] : memref<327680xi32, #tpu.memory_space<hbm>> -> memref<10240xi32, #tpu.memory_space<hbm>>
      tpu.enqueue_dma source(%dma_start3A_103 : memref<10240xi32, #tpu.memory_space<hbm>>) target(%arg5 : memref<10240xi32, #tpu.memory_space<vmem>>) target_semaphore(%run_scoped3A : memref<!tpu.dma_semaphore, #tpu.memory_space<semaphore_mem>>)
      %dma_wait3A_104 = tpu.memref_slice %arg2[%mul3A_2] : memref<327680xi32, #tpu.memory_space<hbm>> -> memref<10240xi32, #tpu.memory_space<hbm>>
      %dma_wait3A_105 = tpu.memref_slice %arg2[%mul3A_2] : memref<327680xi32, #tpu.memory_space<hbm>> -> memref<10240xi32, #tpu.memory_space<hbm>>
      tpu.wait_dma2 semaphore(%run_scoped3A : memref<!tpu.dma_semaphore, #tpu.memory_space<semaphore_mem>>) src(%dma_wait3A_105 : memref<10240xi32, #tpu.memory_space<hbm>>) dst(%arg5 : memref<10240xi32, #tpu.memory_space<vmem>>)
      tpu.yield
    }) : () -> ()
    %multiple_of3A = arith.constant 0 : i32
    %multiple_of3A_3 = tpu.assume_multiple %multiple_of3A, 8 : i32
    %dma_start3A = arith.constant 0 : i32
    %dma_start3A_4 = arith.constant 0 : i32
    %dma_start3A_5 = arith.constant 0 : i32
    %dma_start3A_6 = arith.constant 0 : i32
    %dma_start3A_7 = tpu.memref_slice %arg6[%dma_start3A, %dma_start3A_5, %dma_start3A_6] : memref<3x256x64xf32, #tpu.memory_space<vmem>> -> memref<1x256x64xf32, #tpu.memory_space<vmem>>
    %dma_start3A_8 = tpu.memref_squeeze %dma_start3A_7 : memref<1x256x64xf32, #tpu.memory_space<vmem>> -> memref<256x64xf32, #tpu.memory_space<vmem>>
    %dma_start3A_9 = tpu.memref_slice %arg5[%multiple_of3A_3] : memref<10240xi32, #tpu.memory_space<vmem>> -> memref<256xi32, #tpu.memory_space<vmem>>
    %dma_start3A_10 = arith.constant 0 : i32
    %dma_start3A_11 = arith.constant 0 : i32
    %dma_start3A_12 = tpu.memref_slice %arg3[%dma_start3A_10, %dma_start3A_11] : memref<1000000x64xf32, #tpu.memory_space<hbm>> -> memref<1000000x64xf32, #tpu.memory_space<hbm>>
    %dma_start3A_13 = tpu.memref_slice %arg7[%dma_start3A_4] : memref<3x!tpu.dma_semaphore, #tpu.memory_space<semaphore_mem>> -> memref<1x!tpu.dma_semaphore, #tpu.memory_space<semaphore_mem>>
    %dma_start3A_14 = tpu.memref_squeeze %dma_start3A_13 : memref<1x!tpu.dma_semaphore, #tpu.memory_space<semaphore_mem>> -> memref<!tpu.dma_semaphore, #tpu.memory_space<semaphore_mem>>
    tpu.enqueue_indirect_dma source(%dma_start3A_12 : memref<1000000x64xf32, #tpu.memory_space<hbm>>) target(%dma_start3A_8 : memref<256x64xf32, #tpu.memory_space<vmem>>) offsets(%dma_start3A_9 : memref<256xi32, #tpu.memory_space<vmem>>) semaphore(%dma_start3A_14 : memref<!tpu.dma_semaphore, #tpu.memory_space<semaphore_mem>>)
    %multiple_of3A_15 = arith.constant 256 : i32
    %multiple_of3A_16 = tpu.assume_multiple %multiple_of3A_15, 8 : i32
    %dma_start3A_17 = arith.constant 1 : i32
    %dma_start3A_18 = arith.constant 1 : i32
    %dma_start3A_19 = arith.constant 0 : i32
    %dma_start3A_20 = arith.constant 0 : i32
    %dma_start3A_21 = tpu.memref_slice %arg6[%dma_start3A_17, %dma_start3A_19, %dma_start3A_20] : memref<3x256x64xf32, #tpu.memory_space<vmem>> -> memref<1x256x64xf32, #tpu.memory_space<vmem>>
    %dma_start3A_22 = tpu.memref_squeeze %dma_start3A_21 : memref<1x256x64xf32, #tpu.memory_space<vmem>> -> memref<256x64xf32, #tpu.memory_space<vmem>>
    %dma_start3A_23 = tpu.memref_slice %arg5[%multiple_of3A_16] : memref<10240xi32, #tpu.memory_space<vmem>> -> memref<256xi32, #tpu.memory_space<vmem>>
    %dma_start3A_24 = arith.constant 0 : i32
    %dma_start3A_25 = arith.constant 0 : i32
    %dma_start3A_26 = tpu.memref_slice %arg3[%dma_start3A_24, %dma_start3A_25] : memref<1000000x64xf32, #tpu.memory_space<hbm>> -> memref<1000000x64xf32, #tpu.memory_space<hbm>>
    %dma_start3A_27 = tpu.memref_slice %arg7[%dma_start3A_18] : memref<3x!tpu.dma_semaphore, #tpu.memory_space<semaphore_mem>> -> memref<1x!tpu.dma_semaphore, #tpu.memory_space<semaphore_mem>>
    %dma_start3A_28 = tpu.memref_squeeze %dma_start3A_27 : memref<1x!tpu.dma_semaphore, #tpu.memory_space<semaphore_mem>> -> memref<!tpu.dma_semaphore, #tpu.memory_space<semaphore_mem>>
    tpu.enqueue_indirect_dma source(%dma_start3A_26 : memref<1000000x64xf32, #tpu.memory_space<hbm>>) target(%dma_start3A_22 : memref<256x64xf32, #tpu.memory_space<vmem>>) offsets(%dma_start3A_23 : memref<256xi32, #tpu.memory_space<vmem>>) semaphore(%dma_start3A_28 : memref<!tpu.dma_semaphore, #tpu.memory_space<semaphore_mem>>)
    %scan3A = arith.constant 0 : i32
    %scan3A_29 = arith.constant 0 : i32
    %scan3A_30 = arith.constant 13 : i32
    %scan3A_31 = arith.addi %scan3A_29, %scan3A_30 : i32
    %scan3A_32 = arith.constant 1 : i32
    scf.for %scan3A_102 = %scan3A_29 to %scan3A_31 step %scan3A_32  : i32 {
      %mul3A_103 = arith.constant 3 : i32
      %mul3A_104 = arith.muli %mul3A_103, %scan3A_102 : i32
      %add3A_105 = arith.constant 1 : i32
      %add3A_106 = arith.addi %mul3A_104, %add3A_105 : i32
      %add3A_107 = arith.constant 0 : i32
      %add3A_108 = arith.addi %add3A_106, %add3A_107 : i32
      %sub3A = arith.constant 1 : i32
      %sub3A_109 = arith.subi %add3A_108, %sub3A : i32
      %mul3A_110 = arith.constant 256 : i32
      %mul3A_111 = arith.muli %sub3A_109, %mul3A_110 : i32
      %multiple_of3A_112 = tpu.assume_multiple %mul3A_111, 8 : i32
      %dma_wait3A_113 = arith.constant 0 : i32
      %dma_wait3A_114 = arith.constant 0 : i32
      %dma_wait3A_115 = arith.constant 0 : i32
      %dma_wait3A_116 = arith.constant 0 : i32
      %dma_wait3A_117 = tpu.memref_slice %arg6[%dma_wait3A_113, %dma_wait3A_115, %dma_wait3A_116] : memref<3x256x64xf32, #tpu.memory_space<vmem>> -> memref<1x256x64xf32, #tpu.memory_space<vmem>>
      %dma_wait3A_118 = tpu.memref_squeeze %dma_wait3A_117 : memref<1x256x64xf32, #tpu.memory_space<vmem>> -> memref<256x64xf32, #tpu.memory_space<vmem>>
      %dma_wait3A_119 = tpu.memref_slice %arg5[%multiple_of3A_112] : memref<10240xi32, #tpu.memory_space<vmem>> -> memref<256xi32, #tpu.memory_space<vmem>>
      %dma_wait3A_120 = arith.constant 0 : i32
      %dma_wait3A_121 = arith.constant 0 : i32
      %dma_wait3A_122 = tpu.memref_slice %arg3[%dma_wait3A_120, %dma_wait3A_121] : memref<1000000x64xf32, #tpu.memory_space<hbm>> -> memref<1000000x64xf32, #tpu.memory_space<hbm>>
      %dma_wait3A_123 = tpu.memref_slice %arg7[%dma_wait3A_114] : memref<3x!tpu.dma_semaphore, #tpu.memory_space<semaphore_mem>> -> memref<1x!tpu.dma_semaphore, #tpu.memory_space<semaphore_mem>>
      %dma_wait3A_124 = tpu.memref_squeeze %dma_wait3A_123 : memref<1x!tpu.dma_semaphore, #tpu.memory_space<semaphore_mem>> -> memref<!tpu.dma_semaphore, #tpu.memory_space<semaphore_mem>>
      tpu.wait_indirect_dma semaphore(%dma_wait3A_124 : memref<!tpu.dma_semaphore, #tpu.memory_space<semaphore_mem>>) src(%dma_wait3A_122 : memref<1000000x64xf32, #tpu.memory_space<hbm>>) dst(%dma_wait3A_118 : memref<256x64xf32, #tpu.memory_space<vmem>>)
      %sub3A_125 = arith.constant 1 : i32
      %sub3A_126 = arith.subi %add3A_108, %sub3A_125 : i32
      %mul3A_127 = arith.constant 256 : i32
      %mul3A_128 = arith.muli %sub3A_126, %mul3A_127 : i32
      %add3A_129 = arith.addi %mul3A_2, %mul3A_128 : i32
      %multiple_of3A_130 = tpu.assume_multiple %add3A_129, 8 : i32
      %dma_start3A_131 = arith.constant 0 : i32
      %dma_start3A_132 = arith.constant 0 : i32
      %dma_start3A_133 = arith.constant 0 : i32
      %dma_start3A_134 = arith.constant 0 : i32
      %dma_start3A_135 = tpu.memref_slice %arg6[%dma_start3A_131, %dma_start3A_133, %dma_start3A_134] : memref<3x256x64xf32, #tpu.memory_space<vmem>> -> memref<1x256x64xf32, #tpu.memory_space<vmem>>
      %dma_start3A_136 = tpu.memref_squeeze %dma_start3A_135 : memref<1x256x64xf32, #tpu.memory_space<vmem>> -> memref<256x64xf32, #tpu.memory_space<vmem>>
      %dma_start3A_137 = arith.constant 0 : i32
      %dma_start3A_138 = tpu.memref_slice %arg4[%multiple_of3A_130, %dma_start3A_137] : memref<327680x64xf32, #tpu.memory_space<hbm>> -> memref<256x64xf32, #tpu.memory_space<hbm>>
      %dma_start3A_139 = tpu.memref_slice %arg8[%dma_start3A_132] : memref<3x!tpu.dma_semaphore, #tpu.memory_space<semaphore_mem>> -> memref<1x!tpu.dma_semaphore, #tpu.memory_space<semaphore_mem>>
      %dma_start3A_140 = tpu.memref_squeeze %dma_start3A_139 : memref<1x!tpu.dma_semaphore, #tpu.memory_space<semaphore_mem>> -> memref<!tpu.dma_semaphore, #tpu.memory_space<semaphore_mem>>
      %dma_start3A_141 = arith.constant 0 : i32
      %dma_start3A_142 = tpu.memref_slice %arg4[%multiple_of3A_130, %dma_start3A_141] : memref<327680x64xf32, #tpu.memory_space<hbm>> -> memref<256x64xf32, #tpu.memory_space<hbm>>
      %dma_start3A_143 = arith.constant 0 : i32
      %dma_start3A_144 = arith.constant 0 : i32
      %dma_start3A_145 = tpu.memref_slice %arg6[%dma_start3A_131, %dma_start3A_143, %dma_start3A_144] : memref<3x256x64xf32, #tpu.memory_space<vmem>> -> memref<1x256x64xf32, #tpu.memory_space<vmem>>
      %dma_start3A_146 = tpu.memref_squeeze %dma_start3A_145 : memref<1x256x64xf32, #tpu.memory_space<vmem>> -> memref<256x64xf32, #tpu.memory_space<vmem>>
      tpu.enqueue_dma source(%dma_start3A_146 : memref<256x64xf32, #tpu.memory_space<vmem>>) target(%dma_start3A_142 : memref<256x64xf32, #tpu.memory_space<hbm>>) target_semaphore(%dma_start3A_140 : memref<!tpu.dma_semaphore, #tpu.memory_space<semaphore_mem>>)
      %gt3A = arith.constant 0 : i32
      %gt3A_147 = arith.cmpi sgt, %scan3A_102, %gt3A : i32
      %convert_element_type3A = arith.extui %gt3A_147 : i1 to i32
      %cond3A = arith.constant 0 : i32
      %cond3A_148 = arith.cmpi ne, %convert_element_type3A, %cond3A : i32
      scf.if %cond3A_148 {
        %dma_wait3A_313 = arith.constant 2 : i32
        %dma_wait3A_314 = arith.constant 2 : i32
        %dma_wait3A_315 = arith.constant 0 : i32
        %dma_wait3A_316 = arith.constant 0 : i32
        %dma_wait3A_317 = tpu.memref_slice %arg6[%dma_wait3A_313, %dma_wait3A_315, %dma_wait3A_316] : memref<3x256x64xf32, #tpu.memory_space<vmem>> -> memref<1x256x64xf32, #tpu.memory_space<vmem>>
        %dma_wait3A_318 = tpu.memref_squeeze %dma_wait3A_317 : memref<1x256x64xf32, #tpu.memory_space<vmem>> -> memref<256x64xf32, #tpu.memory_space<vmem>>
        %dma_wait3A_319 = arith.constant 0 : i32
        %dma_wait3A_320 = arith.constant 0 : i32
        %dma_wait3A_321 = tpu.memref_slice %arg4[%dma_wait3A_319, %dma_wait3A_320] : memref<327680x64xf32, #tpu.memory_space<hbm>> -> memref<256x64xf32, #tpu.memory_space<hbm>>
        %dma_wait3A_322 = tpu.memref_slice %arg8[%dma_wait3A_314] : memref<3x!tpu.dma_semaphore, #tpu.memory_space<semaphore_mem>> -> memref<1x!tpu.dma_semaphore, #tpu.memory_space<semaphore_mem>>
        %dma_wait3A_323 = tpu.memref_squeeze %dma_wait3A_322 : memref<1x!tpu.dma_semaphore, #tpu.memory_space<semaphore_mem>> -> memref<!tpu.dma_semaphore, #tpu.memory_space<semaphore_mem>>
        %dma_wait3A_324 = arith.constant 0 : i32
        %dma_wait3A_325 = arith.constant 0 : i32
        %dma_wait3A_326 = tpu.memref_slice %arg4[%dma_wait3A_324, %dma_wait3A_325] : memref<327680x64xf32, #tpu.memory_space<hbm>> -> memref<256x64xf32, #tpu.memory_space<hbm>>
        %dma_wait3A_327 = arith.constant 0 : i32
        %dma_wait3A_328 = arith.constant 0 : i32
        %dma_wait3A_329 = tpu.memref_slice %arg6[%dma_wait3A_313, %dma_wait3A_327, %dma_wait3A_328] : memref<3x256x64xf32, #tpu.memory_space<vmem>> -> memref<1x256x64xf32, #tpu.memory_space<vmem>>
        %dma_wait3A_330 = tpu.memref_squeeze %dma_wait3A_329 : memref<1x256x64xf32, #tpu.memory_space<vmem>> -> memref<256x64xf32, #tpu.memory_space<vmem>>
        tpu.wait_dma2 semaphore(%dma_wait3A_323 : memref<!tpu.dma_semaphore, #tpu.memory_space<semaphore_mem>>) src(%dma_wait3A_330 : memref<256x64xf32, #tpu.memory_space<vmem>>) dst(%dma_wait3A_326 : memref<256x64xf32, #tpu.memory_space<hbm>>)
      } else {
      }
      %add3A_149 = arith.constant 1 : i32
      %add3A_150 = arith.addi %add3A_108, %add3A_149 : i32
      %mul3A_151 = arith.constant 256 : i32
      %mul3A_152 = arith.muli %add3A_150, %mul3A_151 : i32
      %multiple_of3A_153 = tpu.assume_multiple %mul3A_152, 8 : i32
      %dma_start3A_154 = arith.constant 2 : i32
      %dma_start3A_155 = arith.constant 2 : i32
      %dma_start3A_156 = arith.constant 0 : i32
      %dma_start3A_157 = arith.constant 0 : i32
      %dma_start3A_158 = tpu.memref_slice %arg6[%dma_start3A_154, %dma_start3A_156, %dma_start3A_157] : memref<3x256x64xf32, #tpu.memory_space<vmem>> -> memref<1x256x64xf32, #tpu.memory_space<vmem>>
      %dma_start3A_159 = tpu.memref_squeeze %dma_start3A_158 : memref<1x256x64xf32, #tpu.memory_space<vmem>> -> memref<256x64xf32, #tpu.memory_space<vmem>>
      %dma_start3A_160 = tpu.memref_slice %arg5[%multiple_of3A_153] : memref<10240xi32, #tpu.memory_space<vmem>> -> memref<256xi32, #tpu.memory_space<vmem>>
      %dma_start3A_161 = arith.constant 0 : i32
      %dma_start3A_162 = arith.constant 0 : i32
      %dma_start3A_163 = tpu.memref_slice %arg3[%dma_start3A_161, %dma_start3A_162] : memref<1000000x64xf32, #tpu.memory_space<hbm>> -> memref<1000000x64xf32, #tpu.memory_space<hbm>>
      %dma_start3A_164 = tpu.memref_slice %arg7[%dma_start3A_155] : memref<3x!tpu.dma_semaphore, #tpu.memory_space<semaphore_mem>> -> memref<1x!tpu.dma_semaphore, #tpu.memory_space<semaphore_mem>>
      %dma_start3A_165 = tpu.memref_squeeze %dma_start3A_164 : memref<1x!tpu.dma_semaphore, #tpu.memory_space<semaphore_mem>> -> memref<!tpu.dma_semaphore, #tpu.memory_space<semaphore_mem>>
      tpu.enqueue_indirect_dma source(%dma_start3A_163 : memref<1000000x64xf32, #tpu.memory_space<hbm>>) target(%dma_start3A_159 : memref<256x64xf32, #tpu.memory_space<vmem>>) offsets(%dma_start3A_160 : memref<256xi32, #tpu.memory_space<vmem>>) semaphore(%dma_start3A_165 : memref<!tpu.dma_semaphore, #tpu.memory_space<semaphore_mem>>)
      %mul3A_166 = arith.constant 3 : i32
      %mul3A_167 = arith.muli %mul3A_166, %scan3A_102 : i32
      %add3A_168 = arith.constant 1 : i32
      %add3A_169 = arith.addi %mul3A_167, %add3A_168 : i32
      %add3A_170 = arith.constant 1 : i32
      %add3A_171 = arith.addi %add3A_169, %add3A_170 : i32
      %sub3A_172 = arith.constant 1 : i32
      %sub3A_173 = arith.subi %add3A_171, %sub3A_172 : i32
      %mul3A_174 = arith.constant 256 : i32
      %mul3A_175 = arith.muli %sub3A_173, %mul3A_174 : i32
      %multiple_of3A_176 = tpu.assume_multiple %mul3A_175, 8 : i32
      %dma_wait3A_177 = arith.constant 1 : i32
      %dma_wait3A_178 = arith.constant 1 : i32
      %dma_wait3A_179 = arith.constant 0 : i32
      %dma_wait3A_180 = arith.constant 0 : i32
      %dma_wait3A_181 = tpu.memref_slice %arg6[%dma_wait3A_177, %dma_wait3A_179, %dma_wait3A_180] : memref<3x256x64xf32, #tpu.memory_space<vmem>> -> memref<1x256x64xf32, #tpu.memory_space<vmem>>
      %dma_wait3A_182 = tpu.memref_squeeze %dma_wait3A_181 : memref<1x256x64xf32, #tpu.memory_space<vmem>> -> memref<256x64xf32, #tpu.memory_space<vmem>>
      %dma_wait3A_183 = tpu.memref_slice %arg5[%multiple_of3A_176] : memref<10240xi32, #tpu.memory_space<vmem>> -> memref<256xi32, #tpu.memory_space<vmem>>
      %dma_wait3A_184 = arith.constant 0 : i32
      %dma_wait3A_185 = arith.constant 0 : i32
      %dma_wait3A_186 = tpu.memref_slice %arg3[%dma_wait3A_184, %dma_wait3A_185] : memref<1000000x64xf32, #tpu.memory_space<hbm>> -> memref<1000000x64xf32, #tpu.memory_space<hbm>>
      %dma_wait3A_187 = tpu.memref_slice %arg7[%dma_wait3A_178] : memref<3x!tpu.dma_semaphore, #tpu.memory_space<semaphore_mem>> -> memref<1x!tpu.dma_semaphore, #tpu.memory_space<semaphore_mem>>
      %dma_wait3A_188 = tpu.memref_squeeze %dma_wait3A_187 : memref<1x!tpu.dma_semaphore, #tpu.memory_space<semaphore_mem>> -> memref<!tpu.dma_semaphore, #tpu.memory_space<semaphore_mem>>
      tpu.wait_indirect_dma semaphore(%dma_wait3A_188 : memref<!tpu.dma_semaphore, #tpu.memory_space<semaphore_mem>>) src(%dma_wait3A_186 : memref<1000000x64xf32, #tpu.memory_space<hbm>>) dst(%dma_wait3A_182 : memref<256x64xf32, #tpu.memory_space<vmem>>)
      %sub3A_189 = arith.constant 1 : i32
      %sub3A_190 = arith.subi %add3A_171, %sub3A_189 : i32
      %mul3A_191 = arith.constant 256 : i32
      %mul3A_192 = arith.muli %sub3A_190, %mul3A_191 : i32
      %add3A_193 = arith.addi %mul3A_2, %mul3A_192 : i32
      %multiple_of3A_194 = tpu.assume_multiple %add3A_193, 8 : i32
      %dma_start3A_195 = arith.constant 1 : i32
      %dma_start3A_196 = arith.constant 1 : i32
      %dma_start3A_197 = arith.constant 0 : i32
      %dma_start3A_198 = arith.constant 0 : i32
      %dma_start3A_199 = tpu.memref_slice %arg6[%dma_start3A_195, %dma_start3A_197, %dma_start3A_198] : memref<3x256x64xf32, #tpu.memory_space<vmem>> -> memref<1x256x64xf32, #tpu.memory_space<vmem>>
      %dma_start3A_200 = tpu.memref_squeeze %dma_start3A_199 : memref<1x256x64xf32, #tpu.memory_space<vmem>> -> memref<256x64xf32, #tpu.memory_space<vmem>>
      %dma_start3A_201 = arith.constant 0 : i32
      %dma_start3A_202 = tpu.memref_slice %arg4[%multiple_of3A_194, %dma_start3A_201] : memref<327680x64xf32, #tpu.memory_space<hbm>> -> memref<256x64xf32, #tpu.memory_space<hbm>>
      %dma_start3A_203 = tpu.memref_slice %arg8[%dma_start3A_196] : memref<3x!tpu.dma_semaphore, #tpu.memory_space<semaphore_mem>> -> memref<1x!tpu.dma_semaphore, #tpu.memory_space<semaphore_mem>>
      %dma_start3A_204 = tpu.memref_squeeze %dma_start3A_203 : memref<1x!tpu.dma_semaphore, #tpu.memory_space<semaphore_mem>> -> memref<!tpu.dma_semaphore, #tpu.memory_space<semaphore_mem>>
      %dma_start3A_205 = arith.constant 0 : i32
      %dma_start3A_206 = tpu.memref_slice %arg4[%multiple_of3A_194, %dma_start3A_205] : memref<327680x64xf32, #tpu.memory_space<hbm>> -> memref<256x64xf32, #tpu.memory_space<hbm>>
      %dma_start3A_207 = arith.constant 0 : i32
      %dma_start3A_208 = arith.constant 0 : i32
      %dma_start3A_209 = tpu.memref_slice %arg6[%dma_start3A_195, %dma_start3A_207, %dma_start3A_208] : memref<3x256x64xf32, #tpu.memory_space<vmem>> -> memref<1x256x64xf32, #tpu.memory_space<vmem>>
      %dma_start3A_210 = tpu.memref_squeeze %dma_start3A_209 : memref<1x256x64xf32, #tpu.memory_space<vmem>> -> memref<256x64xf32, #tpu.memory_space<vmem>>
      tpu.enqueue_dma source(%dma_start3A_210 : memref<256x64xf32, #tpu.memory_space<vmem>>) target(%dma_start3A_206 : memref<256x64xf32, #tpu.memory_space<hbm>>) target_semaphore(%dma_start3A_204 : memref<!tpu.dma_semaphore, #tpu.memory_space<semaphore_mem>>)
      %dma_wait3A_211 = arith.constant 0 : i32
      %dma_wait3A_212 = arith.constant 0 : i32
      %dma_wait3A_213 = arith.constant 0 : i32
      %dma_wait3A_214 = arith.constant 0 : i32
      %dma_wait3A_215 = tpu.memref_slice %arg6[%dma_wait3A_211, %dma_wait3A_213, %dma_wait3A_214] : memref<3x256x64xf32, #tpu.memory_space<vmem>> -> memref<1x256x64xf32, #tpu.memory_space<vmem>>
      %dma_wait3A_216 = tpu.memref_squeeze %dma_wait3A_215 : memref<1x256x64xf32, #tpu.memory_space<vmem>> -> memref<256x64xf32, #tpu.memory_space<vmem>>
      %dma_wait3A_217 = arith.constant 0 : i32
      %dma_wait3A_218 = arith.constant 0 : i32
      %dma_wait3A_219 = tpu.memref_slice %arg4[%dma_wait3A_217, %dma_wait3A_218] : memref<327680x64xf32, #tpu.memory_space<hbm>> -> memref<256x64xf32, #tpu.memory_space<hbm>>
      %dma_wait3A_220 = tpu.memref_slice %arg8[%dma_wait3A_212] : memref<3x!tpu.dma_semaphore, #tpu.memory_space<semaphore_mem>> -> memref<1x!tpu.dma_semaphore, #tpu.memory_space<semaphore_mem>>
      %dma_wait3A_221 = tpu.memref_squeeze %dma_wait3A_220 : memref<1x!tpu.dma_semaphore, #tpu.memory_space<semaphore_mem>> -> memref<!tpu.dma_semaphore, #tpu.memory_space<semaphore_mem>>
      %dma_wait3A_222 = arith.constant 0 : i32
      %dma_wait3A_223 = arith.constant 0 : i32
      %dma_wait3A_224 = tpu.memref_slice %arg4[%dma_wait3A_222, %dma_wait3A_223] : memref<327680x64xf32, #tpu.memory_space<hbm>> -> memref<256x64xf32, #tpu.memory_space<hbm>>
      %dma_wait3A_225 = arith.constant 0 : i32
      %dma_wait3A_226 = arith.constant 0 : i32
      %dma_wait3A_227 = tpu.memref_slice %arg6[%dma_wait3A_211, %dma_wait3A_225, %dma_wait3A_226] : memref<3x256x64xf32, #tpu.memory_space<vmem>> -> memref<1x256x64xf32, #tpu.memory_space<vmem>>
      %dma_wait3A_228 = tpu.memref_squeeze %dma_wait3A_227 : memref<1x256x64xf32, #tpu.memory_space<vmem>> -> memref<256x64xf32, #tpu.memory_space<vmem>>
      tpu.wait_dma2 semaphore(%dma_wait3A_221 : memref<!tpu.dma_semaphore, #tpu.memory_space<semaphore_mem>>) src(%dma_wait3A_228 : memref<256x64xf32, #tpu.memory_space<vmem>>) dst(%dma_wait3A_224 : memref<256x64xf32, #tpu.memory_space<hbm>>)
      %add3A_229 = arith.constant 1 : i32
      %add3A_230 = arith.addi %add3A_171, %add3A_229 : i32
      %mul3A_231 = arith.constant 256 : i32
      %mul3A_232 = arith.muli %add3A_230, %mul3A_231 : i32
      %multiple_of3A_233 = tpu.assume_multiple %mul3A_232, 8 : i32
      %dma_start3A_234 = arith.constant 0 : i32
      %dma_start3A_235 = arith.constant 0 : i32
      %dma_start3A_236 = arith.constant 0 : i32
      %dma_start3A_237 = arith.constant 0 : i32
      %dma_start3A_238 = tpu.memref_slice %arg6[%dma_start3A_234, %dma_start3A_236, %dma_start3A_237] : memref<3x256x64xf32, #tpu.memory_space<vmem>> -> memref<1x256x64xf32, #tpu.memory_space<vmem>>
      %dma_start3A_239 = tpu.memref_squeeze %dma_start3A_238 : memref<1x256x64xf32, #tpu.memory_space<vmem>> -> memref<256x64xf32, #tpu.memory_space<vmem>>
      %dma_start3A_240 = tpu.memref_slice %arg5[%multiple_of3A_233] : memref<10240xi32, #tpu.memory_space<vmem>> -> memref<256xi32, #tpu.memory_space<vmem>>
      %dma_start3A_241 = arith.constant 0 : i32
      %dma_start3A_242 = arith.constant 0 : i32
      %dma_start3A_243 = tpu.memref_slice %arg3[%dma_start3A_241, %dma_start3A_242] : memref<1000000x64xf32, #tpu.memory_space<hbm>> -> memref<1000000x64xf32, #tpu.memory_space<hbm>>
      %dma_start3A_244 = tpu.memref_slice %arg7[%dma_start3A_235] : memref<3x!tpu.dma_semaphore, #tpu.memory_space<semaphore_mem>> -> memref<1x!tpu.dma_semaphore, #tpu.memory_space<semaphore_mem>>
      %dma_start3A_245 = tpu.memref_squeeze %dma_start3A_244 : memref<1x!tpu.dma_semaphore, #tpu.memory_space<semaphore_mem>> -> memref<!tpu.dma_semaphore, #tpu.memory_space<semaphore_mem>>
      tpu.enqueue_indirect_dma source(%dma_start3A_243 : memref<1000000x64xf32, #tpu.memory_space<hbm>>) target(%dma_start3A_239 : memref<256x64xf32, #tpu.memory_space<vmem>>) offsets(%dma_start3A_240 : memref<256xi32, #tpu.memory_space<vmem>>) semaphore(%dma_start3A_245 : memref<!tpu.dma_semaphore, #tpu.memory_space<semaphore_mem>>)
      %mul3A_246 = arith.constant 3 : i32
      %mul3A_247 = arith.muli %mul3A_246, %scan3A_102 : i32
      %add3A_248 = arith.constant 1 : i32
      %add3A_249 = arith.addi %mul3A_247, %add3A_248 : i32
      %add3A_250 = arith.constant 2 : i32
      %add3A_251 = arith.addi %add3A_249, %add3A_250 : i32
      %sub3A_252 = arith.constant 1 : i32
      %sub3A_253 = arith.subi %add3A_251, %sub3A_252 : i32
      %mul3A_254 = arith.constant 256 : i32
      %mul3A_255 = arith.muli %sub3A_253, %mul3A_254 : i32
      %multiple_of3A_256 = tpu.assume_multiple %mul3A_255, 8 : i32
      %dma_wait3A_257 = arith.constant 2 : i32
      %dma_wait3A_258 = arith.constant 2 : i32
      %dma_wait3A_259 = arith.constant 0 : i32
      %dma_wait3A_260 = arith.constant 0 : i32
      %dma_wait3A_261 = tpu.memref_slice %arg6[%dma_wait3A_257, %dma_wait3A_259, %dma_wait3A_260] : memref<3x256x64xf32, #tpu.memory_space<vmem>> -> memref<1x256x64xf32, #tpu.memory_space<vmem>>
      %dma_wait3A_262 = tpu.memref_squeeze %dma_wait3A_261 : memref<1x256x64xf32, #tpu.memory_space<vmem>> -> memref<256x64xf32, #tpu.memory_space<vmem>>
      %dma_wait3A_263 = tpu.memref_slice %arg5[%multiple_of3A_256] : memref<10240xi32, #tpu.memory_space<vmem>> -> memref<256xi32, #tpu.memory_space<vmem>>
      %dma_wait3A_264 = arith.constant 0 : i32
      %dma_wait3A_265 = arith.constant 0 : i32
      %dma_wait3A_266 = tpu.memref_slice %arg3[%dma_wait3A_264, %dma_wait3A_265] : memref<1000000x64xf32, #tpu.memory_space<hbm>> -> memref<1000000x64xf32, #tpu.memory_space<hbm>>
      %dma_wait3A_267 = tpu.memref_slice %arg7[%dma_wait3A_258] : memref<3x!tpu.dma_semaphore, #tpu.memory_space<semaphore_mem>> -> memref<1x!tpu.dma_semaphore, #tpu.memory_space<semaphore_mem>>
      %dma_wait3A_268 = tpu.memref_squeeze %dma_wait3A_267 : memref<1x!tpu.dma_semaphore, #tpu.memory_space<semaphore_mem>> -> memref<!tpu.dma_semaphore, #tpu.memory_space<semaphore_mem>>
      tpu.wait_indirect_dma semaphore(%dma_wait3A_268 : memref<!tpu.dma_semaphore, #tpu.memory_space<semaphore_mem>>) src(%dma_wait3A_266 : memref<1000000x64xf32, #tpu.memory_space<hbm>>) dst(%dma_wait3A_262 : memref<256x64xf32, #tpu.memory_space<vmem>>)
      %sub3A_269 = arith.constant 1 : i32
      %sub3A_270 = arith.subi %add3A_251, %sub3A_269 : i32
      %mul3A_271 = arith.constant 256 : i32
      %mul3A_272 = arith.muli %sub3A_270, %mul3A_271 : i32
      %add3A_273 = arith.addi %mul3A_2, %mul3A_272 : i32
      %multiple_of3A_274 = tpu.assume_multiple %add3A_273, 8 : i32
      %dma_start3A_275 = arith.constant 2 : i32
      %dma_start3A_276 = arith.constant 2 : i32
      %dma_start3A_277 = arith.constant 0 : i32
      %dma_start3A_278 = arith.constant 0 : i32
      %dma_start3A_279 = tpu.memref_slice %arg6[%dma_start3A_275, %dma_start3A_277, %dma_start3A_278] : memref<3x256x64xf32, #tpu.memory_space<vmem>> -> memref<1x256x64xf32, #tpu.memory_space<vmem>>
      %dma_start3A_280 = tpu.memref_squeeze %dma_start3A_279 : memref<1x256x64xf32, #tpu.memory_space<vmem>> -> memref<256x64xf32, #tpu.memory_space<vmem>>
      %dma_start3A_281 = arith.constant 0 : i32
      %dma_start3A_282 = tpu.memref_slice %arg4[%multiple_of3A_274, %dma_start3A_281] : memref<327680x64xf32, #tpu.memory_space<hbm>> -> memref<256x64xf32, #tpu.memory_space<hbm>>
      %dma_start3A_283 = tpu.memref_slice %arg8[%dma_start3A_276] : memref<3x!tpu.dma_semaphore, #tpu.memory_space<semaphore_mem>> -> memref<1x!tpu.dma_semaphore, #tpu.memory_space<semaphore_mem>>
      %dma_start3A_284 = tpu.memref_squeeze %dma_start3A_283 : memref<1x!tpu.dma_semaphore, #tpu.memory_space<semaphore_mem>> -> memref<!tpu.dma_semaphore, #tpu.memory_space<semaphore_mem>>
      %dma_start3A_285 = arith.constant 0 : i32
      %dma_start3A_286 = tpu.memref_slice %arg4[%multiple_of3A_274, %dma_start3A_285] : memref<327680x64xf32, #tpu.memory_space<hbm>> -> memref<256x64xf32, #tpu.memory_space<hbm>>
      %dma_start3A_287 = arith.constant 0 : i32
      %dma_start3A_288 = arith.constant 0 : i32
      %dma_start3A_289 = tpu.memref_slice %arg6[%dma_start3A_275, %dma_start3A_287, %dma_start3A_288] : memref<3x256x64xf32, #tpu.memory_space<vmem>> -> memref<1x256x64xf32, #tpu.memory_space<vmem>>
      %dma_start3A_290 = tpu.memref_squeeze %dma_start3A_289 : memref<1x256x64xf32, #tpu.memory_space<vmem>> -> memref<256x64xf32, #tpu.memory_space<vmem>>
      tpu.enqueue_dma source(%dma_start3A_290 : memref<256x64xf32, #tpu.memory_space<vmem>>) target(%dma_start3A_286 : memref<256x64xf32, #tpu.memory_space<hbm>>) target_semaphore(%dma_start3A_284 : memref<!tpu.dma_semaphore, #tpu.memory_space<semaphore_mem>>)
      %dma_wait3A_291 = arith.constant 1 : i32
      %dma_wait3A_292 = arith.constant 1 : i32
      %dma_wait3A_293 = arith.constant 0 : i32
      %dma_wait3A_294 = arith.constant 0 : i32
      %dma_wait3A_295 = tpu.memref_slice %arg6[%dma_wait3A_291, %dma_wait3A_293, %dma_wait3A_294] : memref<3x256x64xf32, #tpu.memory_space<vmem>> -> memref<1x256x64xf32, #tpu.memory_space<vmem>>
      %dma_wait3A_296 = tpu.memref_squeeze %dma_wait3A_295 : memref<1x256x64xf32, #tpu.memory_space<vmem>> -> memref<256x64xf32, #tpu.memory_space<vmem>>
      %dma_wait3A_297 = arith.constant 0 : i32
      %dma_wait3A_298 = arith.constant 0 : i32
      %dma_wait3A_299 = tpu.memref_slice %arg4[%dma_wait3A_297, %dma_wait3A_298] : memref<327680x64xf32, #tpu.memory_space<hbm>> -> memref<256x64xf32, #tpu.memory_space<hbm>>
      %dma_wait3A_300 = tpu.memref_slice %arg8[%dma_wait3A_292] : memref<3x!tpu.dma_semaphore, #tpu.memory_space<semaphore_mem>> -> memref<1x!tpu.dma_semaphore, #tpu.memory_space<semaphore_mem>>
      %dma_wait3A_301 = tpu.memref_squeeze %dma_wait3A_300 : memref<1x!tpu.dma_semaphore, #tpu.memory_space<semaphore_mem>> -> memref<!tpu.dma_semaphore, #tpu.memory_space<semaphore_mem>>
      %dma_wait3A_302 = arith.constant 0 : i32
      %dma_wait3A_303 = arith.constant 0 : i32
      %dma_wait3A_304 = tpu.memref_slice %arg4[%dma_wait3A_302, %dma_wait3A_303] : memref<327680x64xf32, #tpu.memory_space<hbm>> -> memref<256x64xf32, #tpu.memory_space<hbm>>
      %dma_wait3A_305 = arith.constant 0 : i32
      %dma_wait3A_306 = arith.constant 0 : i32
      %dma_wait3A_307 = tpu.memref_slice %arg6[%dma_wait3A_291, %dma_wait3A_305, %dma_wait3A_306] : memref<3x256x64xf32, #tpu.memory_space<vmem>> -> memref<1x256x64xf32, #tpu.memory_space<vmem>>
      %dma_wait3A_308 = tpu.memref_squeeze %dma_wait3A_307 : memref<1x256x64xf32, #tpu.memory_space<vmem>> -> memref<256x64xf32, #tpu.memory_space<vmem>>
      tpu.wait_dma2 semaphore(%dma_wait3A_301 : memref<!tpu.dma_semaphore, #tpu.memory_space<semaphore_mem>>) src(%dma_wait3A_308 : memref<256x64xf32, #tpu.memory_space<vmem>>) dst(%dma_wait3A_304 : memref<256x64xf32, #tpu.memory_space<hbm>>)
      %lt3A = arith.constant 12 : i32
      %lt3A_309 = arith.cmpi slt, %scan3A_102, %lt3A : i32
      %convert_element_type3A_310 = arith.extui %lt3A_309 : i1 to i32
      %cond3A_311 = arith.constant 0 : i32
      %cond3A_312 = arith.cmpi ne, %convert_element_type3A_310, %cond3A_311 : i32
      scf.if %cond3A_312 {
        %add3A_313 = arith.constant 1 : i32
        %add3A_314 = arith.addi %add3A_251, %add3A_313 : i32
        %mul3A_315 = arith.constant 256 : i32
        %mul3A_316 = arith.muli %add3A_314, %mul3A_315 : i32
        %multiple_of3A_317 = tpu.assume_multiple %mul3A_316, 8 : i32
        %dma_start3A_318 = arith.constant 1 : i32
        %dma_start3A_319 = arith.constant 1 : i32
        %dma_start3A_320 = arith.constant 0 : i32
        %dma_start3A_321 = arith.constant 0 : i32
        %dma_start3A_322 = tpu.memref_slice %arg6[%dma_start3A_318, %dma_start3A_320, %dma_start3A_321] : memref<3x256x64xf32, #tpu.memory_space<vmem>> -> memref<1x256x64xf32, #tpu.memory_space<vmem>>
        %dma_start3A_323 = tpu.memref_squeeze %dma_start3A_322 : memref<1x256x64xf32, #tpu.memory_space<vmem>> -> memref<256x64xf32, #tpu.memory_space<vmem>>
        %dma_start3A_324 = tpu.memref_slice %arg5[%multiple_of3A_317] : memref<10240xi32, #tpu.memory_space<vmem>> -> memref<256xi32, #tpu.memory_space<vmem>>
        %dma_start3A_325 = arith.constant 0 : i32
        %dma_start3A_326 = arith.constant 0 : i32
        %dma_start3A_327 = tpu.memref_slice %arg3[%dma_start3A_325, %dma_start3A_326] : memref<1000000x64xf32, #tpu.memory_space<hbm>> -> memref<1000000x64xf32, #tpu.memory_space<hbm>>
        %dma_start3A_328 = tpu.memref_slice %arg7[%dma_start3A_319] : memref<3x!tpu.dma_semaphore, #tpu.memory_space<semaphore_mem>> -> memref<1x!tpu.dma_semaphore, #tpu.memory_space<semaphore_mem>>
        %dma_start3A_329 = tpu.memref_squeeze %dma_start3A_328 : memref<1x!tpu.dma_semaphore, #tpu.memory_space<semaphore_mem>> -> memref<!tpu.dma_semaphore, #tpu.memory_space<semaphore_mem>>
        tpu.enqueue_indirect_dma source(%dma_start3A_327 : memref<1000000x64xf32, #tpu.memory_space<hbm>>) target(%dma_start3A_323 : memref<256x64xf32, #tpu.memory_space<vmem>>) offsets(%dma_start3A_324 : memref<256xi32, #tpu.memory_space<vmem>>) semaphore(%dma_start3A_329 : memref<!tpu.dma_semaphore, #tpu.memory_space<semaphore_mem>>)
      } else {
      }
    }
    %scan3A_33 = arith.constant 13 : i32
    %dma_wait3A = arith.constant 2 : i32
    %dma_wait3A_34 = arith.constant 2 : i32
    %dma_wait3A_35 = arith.constant 0 : i32
    %dma_wait3A_36 = arith.constant 0 : i32
    %dma_wait3A_37 = tpu.memref_slice %arg6[%dma_wait3A, %dma_wait3A_35, %dma_wait3A_36] : memref<3x256x64xf32, #tpu.memory_space<vmem>> -> memref<1x256x64xf32, #tpu.memory_space<vmem>>
    %dma_wait3A_38 = tpu.memref_squeeze %dma_wait3A_37 : memref<1x256x64xf32, #tpu.memory_space<vmem>> -> memref<256x64xf32, #tpu.memory_space<vmem>>
    %dma_wait3A_39 = arith.constant 0 : i32
    %dma_wait3A_40 = arith.constant 0 : i32
    %dma_wait3A_41 = tpu.memref_slice %arg4[%dma_wait3A_39, %dma_wait3A_40] : memref<327680x64xf32, #tpu.memory_space<hbm>> -> memref<256x64xf32, #tpu.memory_space<hbm>>
    %dma_wait3A_42 = tpu.memref_slice %arg8[%dma_wait3A_34] : memref<3x!tpu.dma_semaphore, #tpu.memory_space<semaphore_mem>> -> memref<1x!tpu.dma_semaphore, #tpu.memory_space<semaphore_mem>>
    %dma_wait3A_43 = tpu.memref_squeeze %dma_wait3A_42 : memref<1x!tpu.dma_semaphore, #tpu.memory_space<semaphore_mem>> -> memref<!tpu.dma_semaphore, #tpu.memory_space<semaphore_mem>>
    %dma_wait3A_44 = arith.constant 0 : i32
    %dma_wait3A_45 = arith.constant 0 : i32
    %dma_wait3A_46 = tpu.memref_slice %arg4[%dma_wait3A_44, %dma_wait3A_45] : memref<327680x64xf32, #tpu.memory_space<hbm>> -> memref<256x64xf32, #tpu.memory_space<hbm>>
    %dma_wait3A_47 = arith.constant 0 : i32
    %dma_wait3A_48 = arith.constant 0 : i32
    %dma_wait3A_49 = tpu.memref_slice %arg6[%dma_wait3A, %dma_wait3A_47, %dma_wait3A_48] : memref<3x256x64xf32, #tpu.memory_space<vmem>> -> memref<1x256x64xf32, #tpu.memory_space<vmem>>
    %dma_wait3A_50 = tpu.memref_squeeze %dma_wait3A_49 : memref<1x256x64xf32, #tpu.memory_space<vmem>> -> memref<256x64xf32, #tpu.memory_space<vmem>>
    tpu.wait_dma2 semaphore(%dma_wait3A_43 : memref<!tpu.dma_semaphore, #tpu.memory_space<semaphore_mem>>) src(%dma_wait3A_50 : memref<256x64xf32, #tpu.memory_space<vmem>>) dst(%dma_wait3A_46 : memref<256x64xf32, #tpu.memory_space<hbm>>)
    %multiple_of3A_51 = arith.constant 9984 : i32
    %multiple_of3A_52 = tpu.assume_multiple %multiple_of3A_51, 8 : i32
    %dma_wait3A_53 = arith.constant 0 : i32
    %dma_wait3A_54 = arith.constant 0 : i32
    %dma_wait3A_55 = arith.constant 0 : i32
    %dma_wait3A_56 = arith.constant 0 : i32
    %dma_wait3A_57 = tpu.memref_slice %arg6[%dma_wait3A_53, %dma_wait3A_55, %dma_wait3A_56] : memref<3x256x64xf32, #tpu.memory_space<vmem>> -> memref<1x256x64xf32, #tpu.memory_space<vmem>>
    %dma_wait3A_58 = tpu.memref_squeeze %dma_wait3A_57 : memref<1x256x64xf32, #tpu.memory_space<vmem>> -> memref<256x64xf32, #tpu.memory_space<vmem>>
    %dma_wait3A_59 = tpu.memref_slice %arg5[%multiple_of3A_52] : memref<10240xi32, #tpu.memory_space<vmem>> -> memref<256xi32, #tpu.memory_space<vmem>>
    %dma_wait3A_60 = arith.constant 0 : i32
    %dma_wait3A_61 = arith.constant 0 : i32
    %dma_wait3A_62 = tpu.memref_slice %arg3[%dma_wait3A_60, %dma_wait3A_61] : memref<1000000x64xf32, #tpu.memory_space<hbm>> -> memref<1000000x64xf32, #tpu.memory_space<hbm>>
    %dma_wait3A_63 = tpu.memref_slice %arg7[%dma_wait3A_54] : memref<3x!tpu.dma_semaphore, #tpu.memory_space<semaphore_mem>> -> memref<1x!tpu.dma_semaphore, #tpu.memory_space<semaphore_mem>>
    %dma_wait3A_64 = tpu.memref_squeeze %dma_wait3A_63 : memref<1x!tpu.dma_semaphore, #tpu.memory_space<semaphore_mem>> -> memref<!tpu.dma_semaphore, #tpu.memory_space<semaphore_mem>>
    tpu.wait_indirect_dma semaphore(%dma_wait3A_64 : memref<!tpu.dma_semaphore, #tpu.memory_space<semaphore_mem>>) src(%dma_wait3A_62 : memref<1000000x64xf32, #tpu.memory_space<hbm>>) dst(%dma_wait3A_58 : memref<256x64xf32, #tpu.memory_space<vmem>>)
    %add3A_65 = arith.constant 9984 : i32
    %add3A_66 = arith.addi %mul3A_2, %add3A_65 : i32
    %multiple_of3A_67 = tpu.assume_multiple %add3A_66, 8 : i32
    %dma_start3A_68 = arith.constant 0 : i32
    %dma_start3A_69 = arith.constant 0 : i32
    %dma_start3A_70 = arith.constant 0 : i32
    %dma_start3A_71 = arith.constant 0 : i32
    %dma_start3A_72 = tpu.memref_slice %arg6[%dma_start3A_68, %dma_start3A_70, %dma_start3A_71] : memref<3x256x64xf32, #tpu.memory_space<vmem>> -> memref<1x256x64xf32, #tpu.memory_space<vmem>>
    %dma_start3A_73 = tpu.memref_squeeze %dma_start3A_72 : memref<1x256x64xf32, #tpu.memory_space<vmem>> -> memref<256x64xf32, #tpu.memory_space<vmem>>
    %dma_start3A_74 = arith.constant 0 : i32
    %dma_start3A_75 = tpu.memref_slice %arg4[%multiple_of3A_67, %dma_start3A_74] : memref<327680x64xf32, #tpu.memory_space<hbm>> -> memref<256x64xf32, #tpu.memory_space<hbm>>
    %dma_start3A_76 = tpu.memref_slice %arg8[%dma_start3A_69] : memref<3x!tpu.dma_semaphore, #tpu.memory_space<semaphore_mem>> -> memref<1x!tpu.dma_semaphore, #tpu.memory_space<semaphore_mem>>
    %dma_start3A_77 = tpu.memref_squeeze %dma_start3A_76 : memref<1x!tpu.dma_semaphore, #tpu.memory_space<semaphore_mem>> -> memref<!tpu.dma_semaphore, #tpu.memory_space<semaphore_mem>>
    %dma_start3A_78 = arith.constant 0 : i32
    %dma_start3A_79 = tpu.memref_slice %arg4[%multiple_of3A_67, %dma_start3A_78] : memref<327680x64xf32, #tpu.memory_space<hbm>> -> memref<256x64xf32, #tpu.memory_space<hbm>>
    %dma_start3A_80 = arith.constant 0 : i32
    %dma_start3A_81 = arith.constant 0 : i32
    %dma_start3A_82 = tpu.memref_slice %arg6[%dma_start3A_68, %dma_start3A_80, %dma_start3A_81] : memref<3x256x64xf32, #tpu.memory_space<vmem>> -> memref<1x256x64xf32, #tpu.memory_space<vmem>>
    %dma_start3A_83 = tpu.memref_squeeze %dma_start3A_82 : memref<1x256x64xf32, #tpu.memory_space<vmem>> -> memref<256x64xf32, #tpu.memory_space<vmem>>
    tpu.enqueue_dma source(%dma_start3A_83 : memref<256x64xf32, #tpu.memory_space<vmem>>) target(%dma_start3A_79 : memref<256x64xf32, #tpu.memory_space<hbm>>) target_semaphore(%dma_start3A_77 : memref<!tpu.dma_semaphore, #tpu.memory_space<semaphore_mem>>)
    %dma_wait3A_84 = arith.constant 0 : i32
    %dma_wait3A_85 = arith.constant 0 : i32
    %dma_wait3A_86 = arith.constant 0 : i32
    %dma_wait3A_87 = arith.constant 0 : i32
    %dma_wait3A_88 = tpu.memref_slice %arg6[%dma_wait3A_84, %dma_wait3A_86, %dma_wait3A_87] : memref<3x256x64xf32, #tpu.memory_space<vmem>> -> memref<1x256x64xf32, #tpu.memory_space<vmem>>
    %dma_wait3A_89 = tpu.memref_squeeze %dma_wait3A_88 : memref<1x256x64xf32, #tpu.memory_space<vmem>> -> memref<256x64xf32, #tpu.memory_space<vmem>>
    %dma_wait3A_90 = arith.constant 0 : i32
    %dma_wait3A_91 = arith.constant 0 : i32
    %dma_wait3A_92 = tpu.memref_slice %arg4[%dma_wait3A_90, %dma_wait3A_91] : memref<327680x64xf32, #tpu.memory_space<hbm>> -> memref<256x64xf32, #tpu.memory_space<hbm>>
    %dma_wait3A_93 = tpu.memref_slice %arg8[%dma_wait3A_85] : memref<3x!tpu.dma_semaphore, #tpu.memory_space<semaphore_mem>> -> memref<1x!tpu.dma_semaphore, #tpu.memory_space<semaphore_mem>>
    %dma_wait3A_94 = tpu.memref_squeeze %dma_wait3A_93 : memref<1x!tpu.dma_semaphore, #tpu.memory_space<semaphore_mem>> -> memref<!tpu.dma_semaphore, #tpu.memory_space<semaphore_mem>>
    %dma_wait3A_95 = arith.constant 0 : i32
    %dma_wait3A_96 = arith.constant 0 : i32
    %dma_wait3A_97 = tpu.memref_slice %arg4[%dma_wait3A_95, %dma_wait3A_96] : memref<327680x64xf32, #tpu.memory_space<hbm>> -> memref<256x64xf32, #tpu.memory_space<hbm>>
    %dma_wait3A_98 = arith.constant 0 : i32
    %dma_wait3A_99 = arith.constant 0 : i32
    %dma_wait3A_100 = tpu.memref_slice %arg6[%dma_wait3A_84, %dma_wait3A_98, %dma_wait3A_99] : memref<3x256x64xf32, #tpu.memory_space<vmem>> -> memref<1x256x64xf32, #tpu.memory_space<vmem>>
    %dma_wait3A_101 = tpu.memref_squeeze %dma_wait3A_100 : memref<1x256x64xf32, #tpu.memory_space<vmem>> -> memref<256x64xf32, #tpu.memory_space<vmem>>
    tpu.wait_dma2 semaphore(%dma_wait3A_94 : memref<!tpu.dma_semaphore, #tpu.memory_space<semaphore_mem>>) src(%dma_wait3A_101 : memref<256x64xf32, #tpu.memory_space<vmem>>) dst(%dma_wait3A_97 : memref<256x64xf32, #tpu.memory_space<hbm>>)
    return
  }
}

#map = affine_map<(d0, d1) -> (0)>
#map1 = affine_map<(d0, d1) -> (0, 0)>
module attributes {stable_mosaic.version = 14 : i64} {
  func.func @_gather_body(%arg0: i32, %arg1: i32, %arg2: memref<327680xi32, #tpu.memory_space<hbm>>, %arg3: memref<1000000x64xf32, #tpu.memory_space<hbm>>, %arg4: memref<327680x64xf32, #tpu.memory_space<hbm>>, %arg5: memref<10240xi32, #tpu.memory_space<vmem>>, %arg6: memref<3x256x64xf32, #tpu.memory_space<vmem>>, %arg7: memref<3x!tpu.dma_semaphore, #tpu.memory_space<semaphore_mem>>, %arg8: memref<3x!tpu.dma_semaphore, #tpu.memory_space<semaphore_mem>>) attributes {dimension_semantics = [#tpu.dimension_semantics<core_parallel>, #tpu.dimension_semantics<subcore_parallel>], iteration_bounds = array<i64: 2, 16>, scalar_prefetch = 0 : i64, scratch_operands = 4 : i64, tpu.core_type = #tpu.core_type<sc_vector_subcore>, window_params = [{transform_indices = #map}, {transform_indices = #map1}, {transform_indices = #map1}]} {
    %mul3A = arith.constant 2 : i32
    %mul3A_0 = arith.muli %arg1, %mul3A : i32
    %add3A = arith.addi %mul3A_0, %arg0 : i32
    %mul3A_1 = arith.constant 10240 : i32
    %mul3A_2 = arith.muli %add3A, %mul3A_1 : i32
    "tpu.region"() ({
      %run_scoped3A = tpu.sem_alloc : memref<!tpu.dma_semaphore, #tpu.memory_space<semaphore_mem>>
      %dma_start3A_102 = tpu.memref_slice %arg2[%mul3A_2] : memref<327680xi32, #tpu.memory_space<hbm>> -> memref<10240xi32, #tpu.memory_space<hbm>>
      %dma_start3A_103 = tpu.memref_slice %arg2[%mul3A_2] : memref<327680xi32, #tpu.memory_space<hbm>> -> memref<10240xi32, #tpu.memory_space<hbm>>
      tpu.enqueue_dma source(%dma_start3A_103 : memref<10240xi32, #tpu.memory_space<hbm>>) target(%arg5 : memref<10240xi32, #tpu.memory_space<vmem>>) target_semaphore(%run_scoped3A : memref<!tpu.dma_semaphore, #tpu.memory_space<semaphore_mem>>)
      %dma_wait3A_104 = tpu.memref_slice %arg2[%mul3A_2] : memref<327680xi32, #tpu.memory_space<hbm>> -> memref<10240xi32, #tpu.memory_space<hbm>>
      %dma_wait3A_105 = tpu.memref_slice %arg2[%mul3A_2] : memref<327680xi32, #tpu.memory_space<hbm>> -> memref<10240xi32, #tpu.memory_space<hbm>>
      tpu.wait_dma2 semaphore(%run_scoped3A : memref<!tpu.dma_semaphore, #tpu.memory_space<semaphore_mem>>) src(%dma_wait3A_105 : memref<10240xi32, #tpu.memory_space<hbm>>) dst(%arg5 : memref<10240xi32, #tpu.memory_space<vmem>>)
      tpu.yield
    }) : () -> ()
    %multiple_of3A = arith.constant 0 : i32
    %multiple_of3A_3 = tpu.assume_multiple %multiple_of3A, 8 : i32
    %dma_start3A = arith.constant 0 : i32
    %dma_start3A_4 = arith.constant 0 : i32
    %dma_start3A_5 = arith.constant 0 : i32
    %dma_start3A_6 = arith.constant 0 : i32
    %dma_start3A_7 = tpu.memref_slice %arg6[%dma_start3A, %dma_start3A_5, %dma_start3A_6] : memref<3x256x64xf32, #tpu.memory_space<vmem>> -> memref<1x256x64xf32, #tpu.memory_space<vmem>>
    %dma_start3A_8 = tpu.memref_squeeze %dma_start3A_7 : memref<1x256x64xf32, #tpu.memory_space<vmem>> -> memref<256x64xf32, #tpu.memory_space<vmem>>
    %dma_start3A_9 = tpu.memref_slice %arg5[%multiple_of3A_3] : memref<10240xi32, #tpu.memory_space<vmem>> -> memref<256xi32, #tpu.memory_space<vmem>>
    %dma_start3A_10 = arith.constant 0 : i32
    %dma_start3A_11 = arith.constant 0 : i32
    %dma_start3A_12 = tpu.memref_slice %arg3[%dma_start3A_10, %dma_start3A_11] : memref<1000000x64xf32, #tpu.memory_space<hbm>> -> memref<1000000x64xf32, #tpu.memory_space<hbm>>
    %dma_start3A_13 = tpu.memref_slice %arg7[%dma_start3A_4] : memref<3x!tpu.dma_semaphore, #tpu.memory_space<semaphore_mem>> -> memref<1x!tpu.dma_semaphore, #tpu.memory_space<semaphore_mem>>
    %dma_start3A_14 = tpu.memref_squeeze %dma_start3A_13 : memref<1x!tpu.dma_semaphore, #tpu.memory_space<semaphore_mem>> -> memref<!tpu.dma_semaphore, #tpu.memory_space<semaphore_mem>>
    tpu.enqueue_indirect_dma source(%dma_start3A_12 : memref<1000000x64xf32, #tpu.memory_space<hbm>>) target(%dma_start3A_8 : memref<256x64xf32, #tpu.memory_space<vmem>>) offsets(%dma_start3A_9 : memref<256xi32, #tpu.memory_space<vmem>>) semaphore(%dma_start3A_14 : memref<!tpu.dma_semaphore, #tpu.memory_space<semaphore_mem>>)
    %multiple_of3A_15 = arith.constant 256 : i32
    %multiple_of3A_16 = tpu.assume_multiple %multiple_of3A_15, 8 : i32
    %dma_start3A_17 = arith.constant 1 : i32
    %dma_start3A_18 = arith.constant 1 : i32
    %dma_start3A_19 = arith.constant 0 : i32
    %dma_start3A_20 = arith.constant 0 : i32
    %dma_start3A_21 = tpu.memref_slice %arg6[%dma_start3A_17, %dma_start3A_19, %dma_start3A_20] : memref<3x256x64xf32, #tpu.memory_space<vmem>> -> memref<1x256x64xf32, #tpu.memory_space<vmem>>
    %dma_start3A_22 = tpu.memref_squeeze %dma_start3A_21 : memref<1x256x64xf32, #tpu.memory_space<vmem>> -> memref<256x64xf32, #tpu.memory_space<vmem>>
    %dma_start3A_23 = tpu.memref_slice %arg5[%multiple_of3A_16] : memref<10240xi32, #tpu.memory_space<vmem>> -> memref<256xi32, #tpu.memory_space<vmem>>
    %dma_start3A_24 = arith.constant 0 : i32
    %dma_start3A_25 = arith.constant 0 : i32
    %dma_start3A_26 = tpu.memref_slice %arg3[%dma_start3A_24, %dma_start3A_25] : memref<1000000x64xf32, #tpu.memory_space<hbm>> -> memref<1000000x64xf32, #tpu.memory_space<hbm>>
    %dma_start3A_27 = tpu.memref_slice %arg7[%dma_start3A_18] : memref<3x!tpu.dma_semaphore, #tpu.memory_space<semaphore_mem>> -> memref<1x!tpu.dma_semaphore, #tpu.memory_space<semaphore_mem>>
    %dma_start3A_28 = tpu.memref_squeeze %dma_start3A_27 : memref<1x!tpu.dma_semaphore, #tpu.memory_space<semaphore_mem>> -> memref<!tpu.dma_semaphore, #tpu.memory_space<semaphore_mem>>
    tpu.enqueue_indirect_dma source(%dma_start3A_26 : memref<1000000x64xf32, #tpu.memory_space<hbm>>) target(%dma_start3A_22 : memref<256x64xf32, #tpu.memory_space<vmem>>) offsets(%dma_start3A_23 : memref<256xi32, #tpu.memory_space<vmem>>) semaphore(%dma_start3A_28 : memref<!tpu.dma_semaphore, #tpu.memory_space<semaphore_mem>>)
    %scan3A = arith.constant 0 : i32
    %scan3A_29 = arith.constant 0 : i32
    %scan3A_30 = arith.constant 13 : i32
    %scan3A_31 = arith.addi %scan3A_29, %scan3A_30 : i32
    %scan3A_32 = arith.constant 1 : i32
    scf.for %scan3A_102 = %scan3A_29 to %scan3A_31 step %scan3A_32  : i32 {
      %mul3A_103 = arith.constant 3 : i32
      %mul3A_104 = arith.muli %mul3A_103, %scan3A_102 : i32
      %add3A_105 = arith.constant 1 : i32
      %add3A_106 = arith.addi %mul3A_104, %add3A_105 : i32
      %add3A_107 = arith.constant 0 : i32
      %add3A_108 = arith.addi %add3A_106, %add3A_107 : i32
      %sub3A = arith.constant 1 : i32
      %sub3A_109 = arith.subi %add3A_108, %sub3A : i32
      %mul3A_110 = arith.constant 256 : i32
      %mul3A_111 = arith.muli %sub3A_109, %mul3A_110 : i32
      %multiple_of3A_112 = tpu.assume_multiple %mul3A_111, 8 : i32
      %dma_wait3A_113 = arith.constant 0 : i32
      %dma_wait3A_114 = arith.constant 0 : i32
      %dma_wait3A_115 = arith.constant 0 : i32
      %dma_wait3A_116 = arith.constant 0 : i32
      %dma_wait3A_117 = tpu.memref_slice %arg6[%dma_wait3A_113, %dma_wait3A_115, %dma_wait3A_116] : memref<3x256x64xf32, #tpu.memory_space<vmem>> -> memref<1x256x64xf32, #tpu.memory_space<vmem>>
      %dma_wait3A_118 = tpu.memref_squeeze %dma_wait3A_117 : memref<1x256x64xf32, #tpu.memory_space<vmem>> -> memref<256x64xf32, #tpu.memory_space<vmem>>
      %dma_wait3A_119 = tpu.memref_slice %arg5[%multiple_of3A_112] : memref<10240xi32, #tpu.memory_space<vmem>> -> memref<256xi32, #tpu.memory_space<vmem>>
      %dma_wait3A_120 = arith.constant 0 : i32
      %dma_wait3A_121 = arith.constant 0 : i32
      %dma_wait3A_122 = tpu.memref_slice %arg3[%dma_wait3A_120, %dma_wait3A_121] : memref<1000000x64xf32, #tpu.memory_space<hbm>> -> memref<1000000x64xf32, #tpu.memory_space<hbm>>
      %dma_wait3A_123 = tpu.memref_slice %arg7[%dma_wait3A_114] : memref<3x!tpu.dma_semaphore, #tpu.memory_space<semaphore_mem>> -> memref<1x!tpu.dma_semaphore, #tpu.memory_space<semaphore_mem>>
      %dma_wait3A_124 = tpu.memref_squeeze %dma_wait3A_123 : memref<1x!tpu.dma_semaphore, #tpu.memory_space<semaphore_mem>> -> memref<!tpu.dma_semaphore, #tpu.memory_space<semaphore_mem>>
      tpu.wait_indirect_dma semaphore(%dma_wait3A_124 : memref<!tpu.dma_semaphore, #tpu.memory_space<semaphore_mem>>) src(%dma_wait3A_122 : memref<1000000x64xf32, #tpu.memory_space<hbm>>) dst(%dma_wait3A_118 : memref<256x64xf32, #tpu.memory_space<vmem>>)
      %sub3A_125 = arith.constant 1 : i32
      %sub3A_126 = arith.subi %add3A_108, %sub3A_125 : i32
      %mul3A_127 = arith.constant 256 : i32
      %mul3A_128 = arith.muli %sub3A_126, %mul3A_127 : i32
      %add3A_129 = arith.addi %mul3A_2, %mul3A_128 : i32
      %multiple_of3A_130 = tpu.assume_multiple %add3A_129, 8 : i32
      %dma_start3A_131 = arith.constant 0 : i32
      %dma_start3A_132 = arith.constant 0 : i32
      %dma_start3A_133 = arith.constant 0 : i32
      %dma_start3A_134 = arith.constant 0 : i32
      %dma_start3A_135 = tpu.memref_slice %arg6[%dma_start3A_131, %dma_start3A_133, %dma_start3A_134] : memref<3x256x64xf32, #tpu.memory_space<vmem>> -> memref<1x256x64xf32, #tpu.memory_space<vmem>>
      %dma_start3A_136 = tpu.memref_squeeze %dma_start3A_135 : memref<1x256x64xf32, #tpu.memory_space<vmem>> -> memref<256x64xf32, #tpu.memory_space<vmem>>
      %dma_start3A_137 = arith.constant 0 : i32
      %dma_start3A_138 = tpu.memref_slice %arg4[%multiple_of3A_130, %dma_start3A_137] : memref<327680x64xf32, #tpu.memory_space<hbm>> -> memref<256x64xf32, #tpu.memory_space<hbm>>
      %dma_start3A_139 = tpu.memref_slice %arg8[%dma_start3A_132] : memref<3x!tpu.dma_semaphore, #tpu.memory_space<semaphore_mem>> -> memref<1x!tpu.dma_semaphore, #tpu.memory_space<semaphore_mem>>
      %dma_start3A_140 = tpu.memref_squeeze %dma_start3A_139 : memref<1x!tpu.dma_semaphore, #tpu.memory_space<semaphore_mem>> -> memref<!tpu.dma_semaphore, #tpu.memory_space<semaphore_mem>>
      %dma_start3A_141 = arith.constant 0 : i32
      %dma_start3A_142 = tpu.memref_slice %arg4[%multiple_of3A_130, %dma_start3A_141] : memref<327680x64xf32, #tpu.memory_space<hbm>> -> memref<256x64xf32, #tpu.memory_space<hbm>>
      %dma_start3A_143 = arith.constant 0 : i32
      %dma_start3A_144 = arith.constant 0 : i32
      %dma_start3A_145 = tpu.memref_slice %arg6[%dma_start3A_131, %dma_start3A_143, %dma_start3A_144] : memref<3x256x64xf32, #tpu.memory_space<vmem>> -> memref<1x256x64xf32, #tpu.memory_space<vmem>>
      %dma_start3A_146 = tpu.memref_squeeze %dma_start3A_145 : memref<1x256x64xf32, #tpu.memory_space<vmem>> -> memref<256x64xf32, #tpu.memory_space<vmem>>
      tpu.enqueue_dma source(%dma_start3A_146 : memref<256x64xf32, #tpu.memory_space<vmem>>) target(%dma_start3A_142 : memref<256x64xf32, #tpu.memory_space<hbm>>) target_semaphore(%dma_start3A_140 : memref<!tpu.dma_semaphore, #tpu.memory_space<semaphore_mem>>)
      %gt3A = arith.constant 0 : i32
      %gt3A_147 = arith.cmpi sgt, %scan3A_102, %gt3A : i32
      %convert_element_type3A = arith.extui %gt3A_147 : i1 to i32
      %cond3A = arith.constant 0 : i32
      %cond3A_148 = arith.cmpi ne, %convert_element_type3A, %cond3A : i32
      scf.if %cond3A_148 {
        %dma_wait3A_313 = arith.constant 2 : i32
        %dma_wait3A_314 = arith.constant 2 : i32
        %dma_wait3A_315 = arith.constant 0 : i32
        %dma_wait3A_316 = arith.constant 0 : i32
        %dma_wait3A_317 = tpu.memref_slice %arg6[%dma_wait3A_313, %dma_wait3A_315, %dma_wait3A_316] : memref<3x256x64xf32, #tpu.memory_space<vmem>> -> memref<1x256x64xf32, #tpu.memory_space<vmem>>
        %dma_wait3A_318 = tpu.memref_squeeze %dma_wait3A_317 : memref<1x256x64xf32, #tpu.memory_space<vmem>> -> memref<256x64xf32, #tpu.memory_space<vmem>>
        %dma_wait3A_319 = arith.constant 0 : i32
        %dma_wait3A_320 = arith.constant 0 : i32
        %dma_wait3A_321 = tpu.memref_slice %arg4[%dma_wait3A_319, %dma_wait3A_320] : memref<327680x64xf32, #tpu.memory_space<hbm>> -> memref<256x64xf32, #tpu.memory_space<hbm>>
        %dma_wait3A_322 = tpu.memref_slice %arg8[%dma_wait3A_314] : memref<3x!tpu.dma_semaphore, #tpu.memory_space<semaphore_mem>> -> memref<1x!tpu.dma_semaphore, #tpu.memory_space<semaphore_mem>>
        %dma_wait3A_323 = tpu.memref_squeeze %dma_wait3A_322 : memref<1x!tpu.dma_semaphore, #tpu.memory_space<semaphore_mem>> -> memref<!tpu.dma_semaphore, #tpu.memory_space<semaphore_mem>>
        %dma_wait3A_324 = arith.constant 0 : i32
        %dma_wait3A_325 = arith.constant 0 : i32
        %dma_wait3A_326 = tpu.memref_slice %arg4[%dma_wait3A_324, %dma_wait3A_325] : memref<327680x64xf32, #tpu.memory_space<hbm>> -> memref<256x64xf32, #tpu.memory_space<hbm>>
        %dma_wait3A_327 = arith.constant 0 : i32
        %dma_wait3A_328 = arith.constant 0 : i32
        %dma_wait3A_329 = tpu.memref_slice %arg6[%dma_wait3A_313, %dma_wait3A_327, %dma_wait3A_328] : memref<3x256x64xf32, #tpu.memory_space<vmem>> -> memref<1x256x64xf32, #tpu.memory_space<vmem>>
        %dma_wait3A_330 = tpu.memref_squeeze %dma_wait3A_329 : memref<1x256x64xf32, #tpu.memory_space<vmem>> -> memref<256x64xf32, #tpu.memory_space<vmem>>
        tpu.wait_dma2 semaphore(%dma_wait3A_323 : memref<!tpu.dma_semaphore, #tpu.memory_space<semaphore_mem>>) src(%dma_wait3A_330 : memref<256x64xf32, #tpu.memory_space<vmem>>) dst(%dma_wait3A_326 : memref<256x64xf32, #tpu.memory_space<hbm>>)
      } else {
      }
      %add3A_149 = arith.constant 1 : i32
      %add3A_150 = arith.addi %add3A_108, %add3A_149 : i32
      %mul3A_151 = arith.constant 256 : i32
      %mul3A_152 = arith.muli %add3A_150, %mul3A_151 : i32
      %multiple_of3A_153 = tpu.assume_multiple %mul3A_152, 8 : i32
      %dma_start3A_154 = arith.constant 2 : i32
      %dma_start3A_155 = arith.constant 2 : i32
      %dma_start3A_156 = arith.constant 0 : i32
      %dma_start3A_157 = arith.constant 0 : i32
      %dma_start3A_158 = tpu.memref_slice %arg6[%dma_start3A_154, %dma_start3A_156, %dma_start3A_157] : memref<3x256x64xf32, #tpu.memory_space<vmem>> -> memref<1x256x64xf32, #tpu.memory_space<vmem>>
      %dma_start3A_159 = tpu.memref_squeeze %dma_start3A_158 : memref<1x256x64xf32, #tpu.memory_space<vmem>> -> memref<256x64xf32, #tpu.memory_space<vmem>>
      %dma_start3A_160 = tpu.memref_slice %arg5[%multiple_of3A_153] : memref<10240xi32, #tpu.memory_space<vmem>> -> memref<256xi32, #tpu.memory_space<vmem>>
      %dma_start3A_161 = arith.constant 0 : i32
      %dma_start3A_162 = arith.constant 0 : i32
      %dma_start3A_163 = tpu.memref_slice %arg3[%dma_start3A_161, %dma_start3A_162] : memref<1000000x64xf32, #tpu.memory_space<hbm>> -> memref<1000000x64xf32, #tpu.memory_space<hbm>>
      %dma_start3A_164 = tpu.memref_slice %arg7[%dma_start3A_155] : memref<3x!tpu.dma_semaphore, #tpu.memory_space<semaphore_mem>> -> memref<1x!tpu.dma_semaphore, #tpu.memory_space<semaphore_mem>>
      %dma_start3A_165 = tpu.memref_squeeze %dma_start3A_164 : memref<1x!tpu.dma_semaphore, #tpu.memory_space<semaphore_mem>> -> memref<!tpu.dma_semaphore, #tpu.memory_space<semaphore_mem>>
      tpu.enqueue_indirect_dma source(%dma_start3A_163 : memref<1000000x64xf32, #tpu.memory_space<hbm>>) target(%dma_start3A_159 : memref<256x64xf32, #tpu.memory_space<vmem>>) offsets(%dma_start3A_160 : memref<256xi32, #tpu.memory_space<vmem>>) semaphore(%dma_start3A_165 : memref<!tpu.dma_semaphore, #tpu.memory_space<semaphore_mem>>)
      %mul3A_166 = arith.constant 3 : i32
      %mul3A_167 = arith.muli %mul3A_166, %scan3A_102 : i32
      %add3A_168 = arith.constant 1 : i32
      %add3A_169 = arith.addi %mul3A_167, %add3A_168 : i32
      %add3A_170 = arith.constant 1 : i32
      %add3A_171 = arith.addi %add3A_169, %add3A_170 : i32
      %sub3A_172 = arith.constant 1 : i32
      %sub3A_173 = arith.subi %add3A_171, %sub3A_172 : i32
      %mul3A_174 = arith.constant 256 : i32
      %mul3A_175 = arith.muli %sub3A_173, %mul3A_174 : i32
      %multiple_of3A_176 = tpu.assume_multiple %mul3A_175, 8 : i32
      %dma_wait3A_177 = arith.constant 1 : i32
      %dma_wait3A_178 = arith.constant 1 : i32
      %dma_wait3A_179 = arith.constant 0 : i32
      %dma_wait3A_180 = arith.constant 0 : i32
      %dma_wait3A_181 = tpu.memref_slice %arg6[%dma_wait3A_177, %dma_wait3A_179, %dma_wait3A_180] : memref<3x256x64xf32, #tpu.memory_space<vmem>> -> memref<1x256x64xf32, #tpu.memory_space<vmem>>
      %dma_wait3A_182 = tpu.memref_squeeze %dma_wait3A_181 : memref<1x256x64xf32, #tpu.memory_space<vmem>> -> memref<256x64xf32, #tpu.memory_space<vmem>>
      %dma_wait3A_183 = tpu.memref_slice %arg5[%multiple_of3A_176] : memref<10240xi32, #tpu.memory_space<vmem>> -> memref<256xi32, #tpu.memory_space<vmem>>
      %dma_wait3A_184 = arith.constant 0 : i32
      %dma_wait3A_185 = arith.constant 0 : i32
      %dma_wait3A_186 = tpu.memref_slice %arg3[%dma_wait3A_184, %dma_wait3A_185] : memref<1000000x64xf32, #tpu.memory_space<hbm>> -> memref<1000000x64xf32, #tpu.memory_space<hbm>>
      %dma_wait3A_187 = tpu.memref_slice %arg7[%dma_wait3A_178] : memref<3x!tpu.dma_semaphore, #tpu.memory_space<semaphore_mem>> -> memref<1x!tpu.dma_semaphore, #tpu.memory_space<semaphore_mem>>
      %dma_wait3A_188 = tpu.memref_squeeze %dma_wait3A_187 : memref<1x!tpu.dma_semaphore, #tpu.memory_space<semaphore_mem>> -> memref<!tpu.dma_semaphore, #tpu.memory_space<semaphore_mem>>
      tpu.wait_indirect_dma semaphore(%dma_wait3A_188 : memref<!tpu.dma_semaphore, #tpu.memory_space<semaphore_mem>>) src(%dma_wait3A_186 : memref<1000000x64xf32, #tpu.memory_space<hbm>>) dst(%dma_wait3A_182 : memref<256x64xf32, #tpu.memory_space<vmem>>)
      %sub3A_189 = arith.constant 1 : i32
      %sub3A_190 = arith.subi %add3A_171, %sub3A_189 : i32
      %mul3A_191 = arith.constant 256 : i32
      %mul3A_192 = arith.muli %sub3A_190, %mul3A_191 : i32
      %add3A_193 = arith.addi %mul3A_2, %mul3A_192 : i32
      %multiple_of3A_194 = tpu.assume_multiple %add3A_193, 8 : i32
      %dma_start3A_195 = arith.constant 1 : i32
      %dma_start3A_196 = arith.constant 1 : i32
      %dma_start3A_197 = arith.constant 0 : i32
      %dma_start3A_198 = arith.constant 0 : i32
      %dma_start3A_199 = tpu.memref_slice %arg6[%dma_start3A_195, %dma_start3A_197, %dma_start3A_198] : memref<3x256x64xf32, #tpu.memory_space<vmem>> -> memref<1x256x64xf32, #tpu.memory_space<vmem>>
      %dma_start3A_200 = tpu.memref_squeeze %dma_start3A_199 : memref<1x256x64xf32, #tpu.memory_space<vmem>> -> memref<256x64xf32, #tpu.memory_space<vmem>>
      %dma_start3A_201 = arith.constant 0 : i32
      %dma_start3A_202 = tpu.memref_slice %arg4[%multiple_of3A_194, %dma_start3A_201] : memref<327680x64xf32, #tpu.memory_space<hbm>> -> memref<256x64xf32, #tpu.memory_space<hbm>>
      %dma_start3A_203 = tpu.memref_slice %arg8[%dma_start3A_196] : memref<3x!tpu.dma_semaphore, #tpu.memory_space<semaphore_mem>> -> memref<1x!tpu.dma_semaphore, #tpu.memory_space<semaphore_mem>>
      %dma_start3A_204 = tpu.memref_squeeze %dma_start3A_203 : memref<1x!tpu.dma_semaphore, #tpu.memory_space<semaphore_mem>> -> memref<!tpu.dma_semaphore, #tpu.memory_space<semaphore_mem>>
      %dma_start3A_205 = arith.constant 0 : i32
      %dma_start3A_206 = tpu.memref_slice %arg4[%multiple_of3A_194, %dma_start3A_205] : memref<327680x64xf32, #tpu.memory_space<hbm>> -> memref<256x64xf32, #tpu.memory_space<hbm>>
      %dma_start3A_207 = arith.constant 0 : i32
      %dma_start3A_208 = arith.constant 0 : i32
      %dma_start3A_209 = tpu.memref_slice %arg6[%dma_start3A_195, %dma_start3A_207, %dma_start3A_208] : memref<3x256x64xf32, #tpu.memory_space<vmem>> -> memref<1x256x64xf32, #tpu.memory_space<vmem>>
      %dma_start3A_210 = tpu.memref_squeeze %dma_start3A_209 : memref<1x256x64xf32, #tpu.memory_space<vmem>> -> memref<256x64xf32, #tpu.memory_space<vmem>>
      tpu.enqueue_dma source(%dma_start3A_210 : memref<256x64xf32, #tpu.memory_space<vmem>>) target(%dma_start3A_206 : memref<256x64xf32, #tpu.memory_space<hbm>>) target_semaphore(%dma_start3A_204 : memref<!tpu.dma_semaphore, #tpu.memory_space<semaphore_mem>>)
      %dma_wait3A_211 = arith.constant 0 : i32
      %dma_wait3A_212 = arith.constant 0 : i32
      %dma_wait3A_213 = arith.constant 0 : i32
      %dma_wait3A_214 = arith.constant 0 : i32
      %dma_wait3A_215 = tpu.memref_slice %arg6[%dma_wait3A_211, %dma_wait3A_213, %dma_wait3A_214] : memref<3x256x64xf32, #tpu.memory_space<vmem>> -> memref<1x256x64xf32, #tpu.memory_space<vmem>>
      %dma_wait3A_216 = tpu.memref_squeeze %dma_wait3A_215 : memref<1x256x64xf32, #tpu.memory_space<vmem>> -> memref<256x64xf32, #tpu.memory_space<vmem>>
      %dma_wait3A_217 = arith.constant 0 : i32
      %dma_wait3A_218 = arith.constant 0 : i32
      %dma_wait3A_219 = tpu.memref_slice %arg4[%dma_wait3A_217, %dma_wait3A_218] : memref<327680x64xf32, #tpu.memory_space<hbm>> -> memref<256x64xf32, #tpu.memory_space<hbm>>
      %dma_wait3A_220 = tpu.memref_slice %arg8[%dma_wait3A_212] : memref<3x!tpu.dma_semaphore, #tpu.memory_space<semaphore_mem>> -> memref<1x!tpu.dma_semaphore, #tpu.memory_space<semaphore_mem>>
      %dma_wait3A_221 = tpu.memref_squeeze %dma_wait3A_220 : memref<1x!tpu.dma_semaphore, #tpu.memory_space<semaphore_mem>> -> memref<!tpu.dma_semaphore, #tpu.memory_space<semaphore_mem>>
      %dma_wait3A_222 = arith.constant 0 : i32
      %dma_wait3A_223 = arith.constant 0 : i32
      %dma_wait3A_224 = tpu.memref_slice %arg4[%dma_wait3A_222, %dma_wait3A_223] : memref<327680x64xf32, #tpu.memory_space<hbm>> -> memref<256x64xf32, #tpu.memory_space<hbm>>
      %dma_wait3A_225 = arith.constant 0 : i32
      %dma_wait3A_226 = arith.constant 0 : i32
      %dma_wait3A_227 = tpu.memref_slice %arg6[%dma_wait3A_211, %dma_wait3A_225, %dma_wait3A_226] : memref<3x256x64xf32, #tpu.memory_space<vmem>> -> memref<1x256x64xf32, #tpu.memory_space<vmem>>
      %dma_wait3A_228 = tpu.memref_squeeze %dma_wait3A_227 : memref<1x256x64xf32, #tpu.memory_space<vmem>> -> memref<256x64xf32, #tpu.memory_space<vmem>>
      tpu.wait_dma2 semaphore(%dma_wait3A_221 : memref<!tpu.dma_semaphore, #tpu.memory_space<semaphore_mem>>) src(%dma_wait3A_228 : memref<256x64xf32, #tpu.memory_space<vmem>>) dst(%dma_wait3A_224 : memref<256x64xf32, #tpu.memory_space<hbm>>)
      %add3A_229 = arith.constant 1 : i32
      %add3A_230 = arith.addi %add3A_171, %add3A_229 : i32
      %mul3A_231 = arith.constant 256 : i32
      %mul3A_232 = arith.muli %add3A_230, %mul3A_231 : i32
      %multiple_of3A_233 = tpu.assume_multiple %mul3A_232, 8 : i32
      %dma_start3A_234 = arith.constant 0 : i32
      %dma_start3A_235 = arith.constant 0 : i32
      %dma_start3A_236 = arith.constant 0 : i32
      %dma_start3A_237 = arith.constant 0 : i32
      %dma_start3A_238 = tpu.memref_slice %arg6[%dma_start3A_234, %dma_start3A_236, %dma_start3A_237] : memref<3x256x64xf32, #tpu.memory_space<vmem>> -> memref<1x256x64xf32, #tpu.memory_space<vmem>>
      %dma_start3A_239 = tpu.memref_squeeze %dma_start3A_238 : memref<1x256x64xf32, #tpu.memory_space<vmem>> -> memref<256x64xf32, #tpu.memory_space<vmem>>
      %dma_start3A_240 = tpu.memref_slice %arg5[%multiple_of3A_233] : memref<10240xi32, #tpu.memory_space<vmem>> -> memref<256xi32, #tpu.memory_space<vmem>>
      %dma_start3A_241 = arith.constant 0 : i32
      %dma_start3A_242 = arith.constant 0 : i32
      %dma_start3A_243 = tpu.memref_slice %arg3[%dma_start3A_241, %dma_start3A_242] : memref<1000000x64xf32, #tpu.memory_space<hbm>> -> memref<1000000x64xf32, #tpu.memory_space<hbm>>
      %dma_start3A_244 = tpu.memref_slice %arg7[%dma_start3A_235] : memref<3x!tpu.dma_semaphore, #tpu.memory_space<semaphore_mem>> -> memref<1x!tpu.dma_semaphore, #tpu.memory_space<semaphore_mem>>
      %dma_start3A_245 = tpu.memref_squeeze %dma_start3A_244 : memref<1x!tpu.dma_semaphore, #tpu.memory_space<semaphore_mem>> -> memref<!tpu.dma_semaphore, #tpu.memory_space<semaphore_mem>>
      tpu.enqueue_indirect_dma source(%dma_start3A_243 : memref<1000000x64xf32, #tpu.memory_space<hbm>>) target(%dma_start3A_239 : memref<256x64xf32, #tpu.memory_space<vmem>>) offsets(%dma_start3A_240 : memref<256xi32, #tpu.memory_space<vmem>>) semaphore(%dma_start3A_245 : memref<!tpu.dma_semaphore, #tpu.memory_space<semaphore_mem>>)
      %mul3A_246 = arith.constant 3 : i32
      %mul3A_247 = arith.muli %mul3A_246, %scan3A_102 : i32
      %add3A_248 = arith.constant 1 : i32
      %add3A_249 = arith.addi %mul3A_247, %add3A_248 : i32
      %add3A_250 = arith.constant 2 : i32
      %add3A_251 = arith.addi %add3A_249, %add3A_250 : i32
      %sub3A_252 = arith.constant 1 : i32
      %sub3A_253 = arith.subi %add3A_251, %sub3A_252 : i32
      %mul3A_254 = arith.constant 256 : i32
      %mul3A_255 = arith.muli %sub3A_253, %mul3A_254 : i32
      %multiple_of3A_256 = tpu.assume_multiple %mul3A_255, 8 : i32
      %dma_wait3A_257 = arith.constant 2 : i32
      %dma_wait3A_258 = arith.constant 2 : i32
      %dma_wait3A_259 = arith.constant 0 : i32
      %dma_wait3A_260 = arith.constant 0 : i32
      %dma_wait3A_261 = tpu.memref_slice %arg6[%dma_wait3A_257, %dma_wait3A_259, %dma_wait3A_260] : memref<3x256x64xf32, #tpu.memory_space<vmem>> -> memref<1x256x64xf32, #tpu.memory_space<vmem>>
      %dma_wait3A_262 = tpu.memref_squeeze %dma_wait3A_261 : memref<1x256x64xf32, #tpu.memory_space<vmem>> -> memref<256x64xf32, #tpu.memory_space<vmem>>
      %dma_wait3A_263 = tpu.memref_slice %arg5[%multiple_of3A_256] : memref<10240xi32, #tpu.memory_space<vmem>> -> memref<256xi32, #tpu.memory_space<vmem>>
      %dma_wait3A_264 = arith.constant 0 : i32
      %dma_wait3A_265 = arith.constant 0 : i32
      %dma_wait3A_266 = tpu.memref_slice %arg3[%dma_wait3A_264, %dma_wait3A_265] : memref<1000000x64xf32, #tpu.memory_space<hbm>> -> memref<1000000x64xf32, #tpu.memory_space<hbm>>
      %dma_wait3A_267 = tpu.memref_slice %arg7[%dma_wait3A_258] : memref<3x!tpu.dma_semaphore, #tpu.memory_space<semaphore_mem>> -> memref<1x!tpu.dma_semaphore, #tpu.memory_space<semaphore_mem>>
      %dma_wait3A_268 = tpu.memref_squeeze %dma_wait3A_267 : memref<1x!tpu.dma_semaphore, #tpu.memory_space<semaphore_mem>> -> memref<!tpu.dma_semaphore, #tpu.memory_space<semaphore_mem>>
      tpu.wait_indirect_dma semaphore(%dma_wait3A_268 : memref<!tpu.dma_semaphore, #tpu.memory_space<semaphore_mem>>) src(%dma_wait3A_266 : memref<1000000x64xf32, #tpu.memory_space<hbm>>) dst(%dma_wait3A_262 : memref<256x64xf32, #tpu.memory_space<vmem>>)
      %sub3A_269 = arith.constant 1 : i32
      %sub3A_270 = arith.subi %add3A_251, %sub3A_269 : i32
      %mul3A_271 = arith.constant 256 : i32
      %mul3A_272 = arith.muli %sub3A_270, %mul3A_271 : i32
      %add3A_273 = arith.addi %mul3A_2, %mul3A_272 : i32
      %multiple_of3A_274 = tpu.assume_multiple %add3A_273, 8 : i32
      %dma_start3A_275 = arith.constant 2 : i32
      %dma_start3A_276 = arith.constant 2 : i32
      %dma_start3A_277 = arith.constant 0 : i32
      %dma_start3A_278 = arith.constant 0 : i32
      %dma_start3A_279 = tpu.memref_slice %arg6[%dma_start3A_275, %dma_start3A_277, %dma_start3A_278] : memref<3x256x64xf32, #tpu.memory_space<vmem>> -> memref<1x256x64xf32, #tpu.memory_space<vmem>>
      %dma_start3A_280 = tpu.memref_squeeze %dma_start3A_279 : memref<1x256x64xf32, #tpu.memory_space<vmem>> -> memref<256x64xf32, #tpu.memory_space<vmem>>
      %dma_start3A_281 = arith.constant 0 : i32
      %dma_start3A_282 = tpu.memref_slice %arg4[%multiple_of3A_274, %dma_start3A_281] : memref<327680x64xf32, #tpu.memory_space<hbm>> -> memref<256x64xf32, #tpu.memory_space<hbm>>
      %dma_start3A_283 = tpu.memref_slice %arg8[%dma_start3A_276] : memref<3x!tpu.dma_semaphore, #tpu.memory_space<semaphore_mem>> -> memref<1x!tpu.dma_semaphore, #tpu.memory_space<semaphore_mem>>
      %dma_start3A_284 = tpu.memref_squeeze %dma_start3A_283 : memref<1x!tpu.dma_semaphore, #tpu.memory_space<semaphore_mem>> -> memref<!tpu.dma_semaphore, #tpu.memory_space<semaphore_mem>>
      %dma_start3A_285 = arith.constant 0 : i32
      %dma_start3A_286 = tpu.memref_slice %arg4[%multiple_of3A_274, %dma_start3A_285] : memref<327680x64xf32, #tpu.memory_space<hbm>> -> memref<256x64xf32, #tpu.memory_space<hbm>>
      %dma_start3A_287 = arith.constant 0 : i32
      %dma_start3A_288 = arith.constant 0 : i32
      %dma_start3A_289 = tpu.memref_slice %arg6[%dma_start3A_275, %dma_start3A_287, %dma_start3A_288] : memref<3x256x64xf32, #tpu.memory_space<vmem>> -> memref<1x256x64xf32, #tpu.memory_space<vmem>>
      %dma_start3A_290 = tpu.memref_squeeze %dma_start3A_289 : memref<1x256x64xf32, #tpu.memory_space<vmem>> -> memref<256x64xf32, #tpu.memory_space<vmem>>
      tpu.enqueue_dma source(%dma_start3A_290 : memref<256x64xf32, #tpu.memory_space<vmem>>) target(%dma_start3A_286 : memref<256x64xf32, #tpu.memory_space<hbm>>) target_semaphore(%dma_start3A_284 : memref<!tpu.dma_semaphore, #tpu.memory_space<semaphore_mem>>)
      %dma_wait3A_291 = arith.constant 1 : i32
      %dma_wait3A_292 = arith.constant 1 : i32
      %dma_wait3A_293 = arith.constant 0 : i32
      %dma_wait3A_294 = arith.constant 0 : i32
      %dma_wait3A_295 = tpu.memref_slice %arg6[%dma_wait3A_291, %dma_wait3A_293, %dma_wait3A_294] : memref<3x256x64xf32, #tpu.memory_space<vmem>> -> memref<1x256x64xf32, #tpu.memory_space<vmem>>
      %dma_wait3A_296 = tpu.memref_squeeze %dma_wait3A_295 : memref<1x256x64xf32, #tpu.memory_space<vmem>> -> memref<256x64xf32, #tpu.memory_space<vmem>>
      %dma_wait3A_297 = arith.constant 0 : i32
      %dma_wait3A_298 = arith.constant 0 : i32
      %dma_wait3A_299 = tpu.memref_slice %arg4[%dma_wait3A_297, %dma_wait3A_298] : memref<327680x64xf32, #tpu.memory_space<hbm>> -> memref<256x64xf32, #tpu.memory_space<hbm>>
      %dma_wait3A_300 = tpu.memref_slice %arg8[%dma_wait3A_292] : memref<3x!tpu.dma_semaphore, #tpu.memory_space<semaphore_mem>> -> memref<1x!tpu.dma_semaphore, #tpu.memory_space<semaphore_mem>>
      %dma_wait3A_301 = tpu.memref_squeeze %dma_wait3A_300 : memref<1x!tpu.dma_semaphore, #tpu.memory_space<semaphore_mem>> -> memref<!tpu.dma_semaphore, #tpu.memory_space<semaphore_mem>>
      %dma_wait3A_302 = arith.constant 0 : i32
      %dma_wait3A_303 = arith.constant 0 : i32
      %dma_wait3A_304 = tpu.memref_slice %arg4[%dma_wait3A_302, %dma_wait3A_303] : memref<327680x64xf32, #tpu.memory_space<hbm>> -> memref<256x64xf32, #tpu.memory_space<hbm>>
      %dma_wait3A_305 = arith.constant 0 : i32
      %dma_wait3A_306 = arith.constant 0 : i32
      %dma_wait3A_307 = tpu.memref_slice %arg6[%dma_wait3A_291, %dma_wait3A_305, %dma_wait3A_306] : memref<3x256x64xf32, #tpu.memory_space<vmem>> -> memref<1x256x64xf32, #tpu.memory_space<vmem>>
      %dma_wait3A_308 = tpu.memref_squeeze %dma_wait3A_307 : memref<1x256x64xf32, #tpu.memory_space<vmem>> -> memref<256x64xf32, #tpu.memory_space<vmem>>
      tpu.wait_dma2 semaphore(%dma_wait3A_301 : memref<!tpu.dma_semaphore, #tpu.memory_space<semaphore_mem>>) src(%dma_wait3A_308 : memref<256x64xf32, #tpu.memory_space<vmem>>) dst(%dma_wait3A_304 : memref<256x64xf32, #tpu.memory_space<hbm>>)
      %lt3A = arith.constant 12 : i32
      %lt3A_309 = arith.cmpi slt, %scan3A_102, %lt3A : i32
      %convert_element_type3A_310 = arith.extui %lt3A_309 : i1 to i32
      %cond3A_311 = arith.constant 0 : i32
      %cond3A_312 = arith.cmpi ne, %convert_element_type3A_310, %cond3A_311 : i32
      scf.if %cond3A_312 {
        %add3A_313 = arith.constant 1 : i32
        %add3A_314 = arith.addi %add3A_251, %add3A_313 : i32
        %mul3A_315 = arith.constant 256 : i32
        %mul3A_316 = arith.muli %add3A_314, %mul3A_315 : i32
        %multiple_of3A_317 = tpu.assume_multiple %mul3A_316, 8 : i32
        %dma_start3A_318 = arith.constant 1 : i32
        %dma_start3A_319 = arith.constant 1 : i32
        %dma_start3A_320 = arith.constant 0 : i32
        %dma_start3A_321 = arith.constant 0 : i32
        %dma_start3A_322 = tpu.memref_slice %arg6[%dma_start3A_318, %dma_start3A_320, %dma_start3A_321] : memref<3x256x64xf32, #tpu.memory_space<vmem>> -> memref<1x256x64xf32, #tpu.memory_space<vmem>>
        %dma_start3A_323 = tpu.memref_squeeze %dma_start3A_322 : memref<1x256x64xf32, #tpu.memory_space<vmem>> -> memref<256x64xf32, #tpu.memory_space<vmem>>
        %dma_start3A_324 = tpu.memref_slice %arg5[%multiple_of3A_317] : memref<10240xi32, #tpu.memory_space<vmem>> -> memref<256xi32, #tpu.memory_space<vmem>>
        %dma_start3A_325 = arith.constant 0 : i32
        %dma_start3A_326 = arith.constant 0 : i32
        %dma_start3A_327 = tpu.memref_slice %arg3[%dma_start3A_325, %dma_start3A_326] : memref<1000000x64xf32, #tpu.memory_space<hbm>> -> memref<1000000x64xf32, #tpu.memory_space<hbm>>
        %dma_start3A_328 = tpu.memref_slice %arg7[%dma_start3A_319] : memref<3x!tpu.dma_semaphore, #tpu.memory_space<semaphore_mem>> -> memref<1x!tpu.dma_semaphore, #tpu.memory_space<semaphore_mem>>
        %dma_start3A_329 = tpu.memref_squeeze %dma_start3A_328 : memref<1x!tpu.dma_semaphore, #tpu.memory_space<semaphore_mem>> -> memref<!tpu.dma_semaphore, #tpu.memory_space<semaphore_mem>>
        tpu.enqueue_indirect_dma source(%dma_start3A_327 : memref<1000000x64xf32, #tpu.memory_space<hbm>>) target(%dma_start3A_323 : memref<256x64xf32, #tpu.memory_space<vmem>>) offsets(%dma_start3A_324 : memref<256xi32, #tpu.memory_space<vmem>>) semaphore(%dma_start3A_329 : memref<!tpu.dma_semaphore, #tpu.memory_space<semaphore_mem>>)
      } else {
      }
    }
    %scan3A_33 = arith.constant 13 : i32
    %dma_wait3A = arith.constant 2 : i32
    %dma_wait3A_34 = arith.constant 2 : i32
    %dma_wait3A_35 = arith.constant 0 : i32
    %dma_wait3A_36 = arith.constant 0 : i32
    %dma_wait3A_37 = tpu.memref_slice %arg6[%dma_wait3A, %dma_wait3A_35, %dma_wait3A_36] : memref<3x256x64xf32, #tpu.memory_space<vmem>> -> memref<1x256x64xf32, #tpu.memory_space<vmem>>
    %dma_wait3A_38 = tpu.memref_squeeze %dma_wait3A_37 : memref<1x256x64xf32, #tpu.memory_space<vmem>> -> memref<256x64xf32, #tpu.memory_space<vmem>>
    %dma_wait3A_39 = arith.constant 0 : i32
    %dma_wait3A_40 = arith.constant 0 : i32
    %dma_wait3A_41 = tpu.memref_slice %arg4[%dma_wait3A_39, %dma_wait3A_40] : memref<327680x64xf32, #tpu.memory_space<hbm>> -> memref<256x64xf32, #tpu.memory_space<hbm>>
    %dma_wait3A_42 = tpu.memref_slice %arg8[%dma_wait3A_34] : memref<3x!tpu.dma_semaphore, #tpu.memory_space<semaphore_mem>> -> memref<1x!tpu.dma_semaphore, #tpu.memory_space<semaphore_mem>>
    %dma_wait3A_43 = tpu.memref_squeeze %dma_wait3A_42 : memref<1x!tpu.dma_semaphore, #tpu.memory_space<semaphore_mem>> -> memref<!tpu.dma_semaphore, #tpu.memory_space<semaphore_mem>>
    %dma_wait3A_44 = arith.constant 0 : i32
    %dma_wait3A_45 = arith.constant 0 : i32
    %dma_wait3A_46 = tpu.memref_slice %arg4[%dma_wait3A_44, %dma_wait3A_45] : memref<327680x64xf32, #tpu.memory_space<hbm>> -> memref<256x64xf32, #tpu.memory_space<hbm>>
    %dma_wait3A_47 = arith.constant 0 : i32
    %dma_wait3A_48 = arith.constant 0 : i32
    %dma_wait3A_49 = tpu.memref_slice %arg6[%dma_wait3A, %dma_wait3A_47, %dma_wait3A_48] : memref<3x256x64xf32, #tpu.memory_space<vmem>> -> memref<1x256x64xf32, #tpu.memory_space<vmem>>
    %dma_wait3A_50 = tpu.memref_squeeze %dma_wait3A_49 : memref<1x256x64xf32, #tpu.memory_space<vmem>> -> memref<256x64xf32, #tpu.memory_space<vmem>>
    tpu.wait_dma2 semaphore(%dma_wait3A_43 : memref<!tpu.dma_semaphore, #tpu.memory_space<semaphore_mem>>) src(%dma_wait3A_50 : memref<256x64xf32, #tpu.memory_space<vmem>>) dst(%dma_wait3A_46 : memref<256x64xf32, #tpu.memory_space<hbm>>)
    %multiple_of3A_51 = arith.constant 9984 : i32
    %multiple_of3A_52 = tpu.assume_multiple %multiple_of3A_51, 8 : i32
    %dma_wait3A_53 = arith.constant 0 : i32
    %dma_wait3A_54 = arith.constant 0 : i32
    %dma_wait3A_55 = arith.constant 0 : i32
    %dma_wait3A_56 = arith.constant 0 : i32
    %dma_wait3A_57 = tpu.memref_slice %arg6[%dma_wait3A_53, %dma_wait3A_55, %dma_wait3A_56] : memref<3x256x64xf32, #tpu.memory_space<vmem>> -> memref<1x256x64xf32, #tpu.memory_space<vmem>>
    %dma_wait3A_58 = tpu.memref_squeeze %dma_wait3A_57 : memref<1x256x64xf32, #tpu.memory_space<vmem>> -> memref<256x64xf32, #tpu.memory_space<vmem>>
    %dma_wait3A_59 = tpu.memref_slice %arg5[%multiple_of3A_52] : memref<10240xi32, #tpu.memory_space<vmem>> -> memref<256xi32, #tpu.memory_space<vmem>>
    %dma_wait3A_60 = arith.constant 0 : i32
    %dma_wait3A_61 = arith.constant 0 : i32
    %dma_wait3A_62 = tpu.memref_slice %arg3[%dma_wait3A_60, %dma_wait3A_61] : memref<1000000x64xf32, #tpu.memory_space<hbm>> -> memref<1000000x64xf32, #tpu.memory_space<hbm>>
    %dma_wait3A_63 = tpu.memref_slice %arg7[%dma_wait3A_54] : memref<3x!tpu.dma_semaphore, #tpu.memory_space<semaphore_mem>> -> memref<1x!tpu.dma_semaphore, #tpu.memory_space<semaphore_mem>>
    %dma_wait3A_64 = tpu.memref_squeeze %dma_wait3A_63 : memref<1x!tpu.dma_semaphore, #tpu.memory_space<semaphore_mem>> -> memref<!tpu.dma_semaphore, #tpu.memory_space<semaphore_mem>>
    tpu.wait_indirect_dma semaphore(%dma_wait3A_64 : memref<!tpu.dma_semaphore, #tpu.memory_space<semaphore_mem>>) src(%dma_wait3A_62 : memref<1000000x64xf32, #tpu.memory_space<hbm>>) dst(%dma_wait3A_58 : memref<256x64xf32, #tpu.memory_space<vmem>>)
    %add3A_65 = arith.constant 9984 : i32
    %add3A_66 = arith.addi %mul3A_2, %add3A_65 : i32
    %multiple_of3A_67 = tpu.assume_multiple %add3A_66, 8 : i32
    %dma_start3A_68 = arith.constant 0 : i32
    %dma_start3A_69 = arith.constant 0 : i32
    %dma_start3A_70 = arith.constant 0 : i32
    %dma_start3A_71 = arith.constant 0 : i32
    %dma_start3A_72 = tpu.memref_slice %arg6[%dma_start3A_68, %dma_start3A_70, %dma_start3A_71] : memref<3x256x64xf32, #tpu.memory_space<vmem>> -> memref<1x256x64xf32, #tpu.memory_space<vmem>>
    %dma_start3A_73 = tpu.memref_squeeze %dma_start3A_72 : memref<1x256x64xf32, #tpu.memory_space<vmem>> -> memref<256x64xf32, #tpu.memory_space<vmem>>
    %dma_start3A_74 = arith.constant 0 : i32
    %dma_start3A_75 = tpu.memref_slice %arg4[%multiple_of3A_67, %dma_start3A_74] : memref<327680x64xf32, #tpu.memory_space<hbm>> -> memref<256x64xf32, #tpu.memory_space<hbm>>
    %dma_start3A_76 = tpu.memref_slice %arg8[%dma_start3A_69] : memref<3x!tpu.dma_semaphore, #tpu.memory_space<semaphore_mem>> -> memref<1x!tpu.dma_semaphore, #tpu.memory_space<semaphore_mem>>
    %dma_start3A_77 = tpu.memref_squeeze %dma_start3A_76 : memref<1x!tpu.dma_semaphore, #tpu.memory_space<semaphore_mem>> -> memref<!tpu.dma_semaphore, #tpu.memory_space<semaphore_mem>>
    %dma_start3A_78 = arith.constant 0 : i32
    %dma_start3A_79 = tpu.memref_slice %arg4[%multiple_of3A_67, %dma_start3A_78] : memref<327680x64xf32, #tpu.memory_space<hbm>> -> memref<256x64xf32, #tpu.memory_space<hbm>>
    %dma_start3A_80 = arith.constant 0 : i32
    %dma_start3A_81 = arith.constant 0 : i32
    %dma_start3A_82 = tpu.memref_slice %arg6[%dma_start3A_68, %dma_start3A_80, %dma_start3A_81] : memref<3x256x64xf32, #tpu.memory_space<vmem>> -> memref<1x256x64xf32, #tpu.memory_space<vmem>>
    %dma_start3A_83 = tpu.memref_squeeze %dma_start3A_82 : memref<1x256x64xf32, #tpu.memory_space<vmem>> -> memref<256x64xf32, #tpu.memory_space<vmem>>
    tpu.enqueue_dma source(%dma_start3A_83 : memref<256x64xf32, #tpu.memory_space<vmem>>) target(%dma_start3A_79 : memref<256x64xf32, #tpu.memory_space<hbm>>) target_semaphore(%dma_start3A_77 : memref<!tpu.dma_semaphore, #tpu.memory_space<semaphore_mem>>)
    %dma_wait3A_84 = arith.constant 0 : i32
    %dma_wait3A_85 = arith.constant 0 : i32
    %dma_wait3A_86 = arith.constant 0 : i32
    %dma_wait3A_87 = arith.constant 0 : i32
    %dma_wait3A_88 = tpu.memref_slice %arg6[%dma_wait3A_84, %dma_wait3A_86, %dma_wait3A_87] : memref<3x256x64xf32, #tpu.memory_space<vmem>> -> memref<1x256x64xf32, #tpu.memory_space<vmem>>
    %dma_wait3A_89 = tpu.memref_squeeze %dma_wait3A_88 : memref<1x256x64xf32, #tpu.memory_space<vmem>> -> memref<256x64xf32, #tpu.memory_space<vmem>>
    %dma_wait3A_90 = arith.constant 0 : i32
    %dma_wait3A_91 = arith.constant 0 : i32
    %dma_wait3A_92 = tpu.memref_slice %arg4[%dma_wait3A_90, %dma_wait3A_91] : memref<327680x64xf32, #tpu.memory_space<hbm>> -> memref<256x64xf32, #tpu.memory_space<hbm>>
    %dma_wait3A_93 = tpu.memref_slice %arg8[%dma_wait3A_85] : memref<3x!tpu.dma_semaphore, #tpu.memory_space<semaphore_mem>> -> memref<1x!tpu.dma_semaphore, #tpu.memory_space<semaphore_mem>>
    %dma_wait3A_94 = tpu.memref_squeeze %dma_wait3A_93 : memref<1x!tpu.dma_semaphore, #tpu.memory_space<semaphore_mem>> -> memref<!tpu.dma_semaphore, #tpu.memory_space<semaphore_mem>>
    %dma_wait3A_95 = arith.constant 0 : i32
    %dma_wait3A_96 = arith.constant 0 : i32
    %dma_wait3A_97 = tpu.memref_slice %arg4[%dma_wait3A_95, %dma_wait3A_96] : memref<327680x64xf32, #tpu.memory_space<hbm>> -> memref<256x64xf32, #tpu.memory_space<hbm>>
    %dma_wait3A_98 = arith.constant 0 : i32
    %dma_wait3A_99 = arith.constant 0 : i32
    %dma_wait3A_100 = tpu.memref_slice %arg6[%dma_wait3A_84, %dma_wait3A_98, %dma_wait3A_99] : memref<3x256x64xf32, #tpu.memory_space<vmem>> -> memref<1x256x64xf32, #tpu.memory_space<vmem>>
    %dma_wait3A_101 = tpu.memref_squeeze %dma_wait3A_100 : memref<1x256x64xf32, #tpu.memory_space<vmem>> -> memref<256x64xf32, #tpu.memory_space<vmem>>
    tpu.wait_dma2 semaphore(%dma_wait3A_94 : memref<!tpu.dma_semaphore, #tpu.memory_space<semaphore_mem>>) src(%dma_wait3A_101 : memref<256x64xf32, #tpu.memory_space<vmem>>) dst(%dma_wait3A_97 : memref<256x64xf32, #tpu.memory_space<hbm>>)
    return
  }
}

</mosaic_0001>

<sc_bundles>
// kernel: kernel.4.cloned.1.call-start
scs
__scs_entry_jumppad:
0x0: {  	(pc) =	sbr.rel $0x88, $3  }
0x1: {  	(tag) =	ssettag $0x0;
	lr =	simm.s32 $0x1  }
0x2: {  	[smem:$0x3F9E] =	sst lr;
	_ =	strace $0xD0000000  }
0x3: {  	_ = 	snop  }
0x4: {  	_ = 	snop  }
0x5: {  	_ = 	snop  }
0x6: {  	_ = 	snop  }
0x7: {  	_ = 	snop  }
__scs_overlays_trampoline_lowered:
0x8: {  	[smem:$0x3FAD] =	sst s0  }
0x9: {  	[smem:$0x3FAE] =	sst s1  }
0xa: {  	[smem:$0x3FAF] =	sst s2  }
0xb: {  	[smem:$0x3FB0] =	sst s3  }
0xc: {  	[smem:$0x3FB1] =	sst s4  }
0xd: {  	[smem:$0x3FB2] =	sst s5  }
0xe: {  	[smem:$0x3FB3] =	sst s6  }
0xf: {  	[smem:$0x3FB4] =	sst s7  }
0x10: {  	[smem:$0x3FB5] =	sst s8  }
0x11: {  	[smem:$0x3FB6] =	sst s9;
	s0 =	simm.s32 @!p0 $0x0  }
0x12: {  	s1 =	sld [smem:$0x3F9C];
	s0 =	simm.s32 @p0 $0x1  }
0x13: {  	[smem:$0x3FB7] =	sst s0;
	s0 =	simm.s32 @!p1 $0x0  }
0x14: {  	s2 =	sld [smem:$0x3F9B];
	s0 =	simm.s32 @p1 $0x1  }
0x15: {  	[smem:$0x3FB8] =	sst s0;
	s0 =	simm.s32 @!p2 $0x0  }
0x16: {  	s3 =	sld [smem:$0x3FDB];
	s0 =	simm.s32 @p2 $0x1  }
0x17: {  	s4 =	simm.s32 $0x1BF5;
	[smem:$0x3FBA] =	sst s0  }
0x18: {  	s0 =	sld [smem:$0x3F9D];
	_ =	swait.ge [sflag:s4], $0x0  }
0x19: {  	s7 =	sld [smem:$0x3F9E]  }
0x1a: {  	s8 =	sadd.s32 $0xFFFFE003, lr  }
0x1b: {  	s9 =	sadd.s32 $0xFFFFFEF7, lr;
	s5 =	simm.s32 $0xFFFFFFFF;
	p2 =	slt.u32 s8, $0xFFFFF086  }
0x1c: {  	p1 =	slt.u32 s9, $0xF7A;
	s5 =	simm.s32 @!p2 $0x0  }
0x1d: {  	s5 =	simm.s32 @p1 $0x1;
	p0 =	seq.s32 s7, s2  }
0x1e: {  	s7 =	smul.u32 @!p0 $0xF7A, s2;
	p2 =	seq.s32 @!p0 s5, $0x0  }
0x1f: {  	s9 =	smul.u32 $0xF7A, s1;
	s8 =	simm.s32 @!p0 $0x1BF5;
	p2 =	por !p2, p0  }
0x20: {  	[sflag:s8] =	ssyncset.s32 @!p0 $0xFFFFF086;
	s6 =	sadd.s32 @!p0 s3, s7;
	s7 =	simm.s32 @!p0 $0x108  }
0x21: {  	s3 =	sadd.s32 s3, s9;
	s6 =	sadd.s32 @!p0 $0x88, s6;
	s7 =	simm.s32 @p2 $0x1082  }
0x22: {  	[simem:s7], [sflag:s8] =	dma.local @!p0 [hbm:s6], $0xF7A  }
0x23: {  	s9 =	sor.u32 $0xD0000000, s2;
	s6 =	simm.s32 $0x108;
	_ =	swait.ge @!p0 [sflag:s8], $0x0  }
0x24: {  	s3 =	sadd.s32 $0x88, s3;
	s6 =	simm.s32 @!p1 $0x1082;
	[sflag:s4] =	ssyncset.s32 $0xFFFFF086  }
0x25: {  	[simem:s6], [sflag:s4] =	dma.local [hbm:s3], $0xF7A  }
0x26: {  	[smem:$0x3F9E] =	sst s1;
	(tag) =	ssettag s2;
	_ =	strace s9  }
0x27: {  	s1 =	sld [smem:$0x3FAE]  }
0x28: {  	s2 =	sld [smem:$0x3FAF]  }
0x29: {  	s4 =	sld [smem:$0x3FB1]  }
0x2a: {  	p0 =	seq.s32 s5, $0x0;
	s5 =	sld [smem:$0x3FB2]  }
0x2b: {  	s6 =	sld [smem:$0x3FB3]  }
0x2c: {  	s7 =	sld [smem:$0x3FB4]  }
0x2d: {  	s3 =	simm.s32 $0x108;
	s8 =	sld [smem:$0x3FB5]  }
0x2e: {  	s3 =	simm.s32 @!p0 $0x1082;
	s9 =	sld [smem:$0x3FB6]  }
0x2f: {  	lr =	sadd.s32 s0, s3;
	s0 =	sld [smem:$0x3FAD]  }
0x30: {  	s3 =	sld [smem:$0x3FB0]  }
0x31: {  	[smem:$0x3FB9] =	sst s10  }
0x32: {  	s10 =	sld [smem:$0x3FB7];
	_ =	sdelay $0x3  }
0x33: {  	p0 =	seq.s32 s10, $0x1;
	s10 =	sld [smem:$0x3FB9];
	_ =	sdelay $0x3  }
0x34: {  	[smem:$0x3FB9] =	sst s10  }
0x35: {  	s10 =	sld [smem:$0x3FB8];
	_ =	sdelay $0x3  }
0x36: {  	p1 =	seq.s32 s10, $0x1;
	s10 =	sld [smem:$0x3FB9];
	_ =	sdelay $0x3  }
0x37: {  	[smem:$0x3FB9] =	sst s10  }
0x38: {  	s10 =	sld [smem:$0x3FBA]  }
0x39: {  	_ = 	snop;
	(pc) =	sbr.ind lr, $3  }
0x3a: {  	_ = 	snop  }
0x3b: {  	_ = 	snop  }
0x3c: {  	p2 =	seq.s32 s10, $0x1;
	s10 =	sld [smem:$0x3FB9]  }
0x3d: {  	_ =	shalt  }
0x3e: {  	_ =	shalt  }
0x3f: {  	_ =	shalt  }
0x40: {  	_ =	shalt  }
0x41: {  	_ =	shalt  }
0x42: {  	_ =	shalt  }
0x43: {  	_ =	shalt  }
0x44: {  	_ =	shalt  }
0x45: {  	_ =	shalt  }
0x46: {  	_ =	shalt  }
0x47: {  	_ =	shalt  }
0x48: {  	_ =	shalt  }
0x49: {  	_ =	shalt  }
0x4a: {  	_ =	shalt  }
0x4b: {  	_ =	shalt  }
0x4c: {  	_ =	shalt  }
0x4d: {  	_ =	shalt  }
0x4e: {  	_ =	shalt  }
0x4f: {  	_ =	shalt  }
0x50: {  	_ =	shalt  }
0x51: {  	_ =	shalt  }
0x52: {  	_ =	shalt  }
0x53: {  	_ =	shalt  }
0x54: {  	_ =	shalt  }
0x55: {  	_ =	shalt  }
0x56: {  	_ =	shalt  }
0x57: {  	_ =	shalt  }
0x58: {  	_ =	shalt  }
0x59: {  	_ =	shalt  }
0x5a: {  	_ =	shalt  }
0x5b: {  	_ =	shalt  }
0x5c: {  	_ =	shalt  }
0x5d: {  	_ =	shalt  }
0x5e: {  	_ =	shalt  }
0x5f: {  	_ =	shalt  }
0x60: {  	_ =	shalt  }
0x61: {  	_ =	shalt  }
0x62: {  	_ =	shalt  }
0x63: {  	_ =	shalt  }
0x64: {  	_ =	shalt  }
0x65: {  	_ =	shalt  }
0x66: {  	_ =	shalt  }
0x67: {  	_ =	shalt  }
0x68: {  	_ =	shalt  }
0x69: {  	_ =	shalt  }
0x6a: {  	_ =	shalt  }
0x6b: {  	_ =	shalt  }
0x6c: {  	_ =	shalt  }
0x6d: {  	_ =	shalt  }
0x6e: {  	_ =	shalt  }
0x6f: {  	_ =	shalt  }
0x70: {  	_ =	shalt  }
0x71: {  	_ =	shalt  }
0x72: {  	_ =	shalt  }
0x73: {  	_ =	shalt  }
0x74: {  	_ =	shalt  }
0x75: {  	_ =	shalt  }
0x76: {  	_ =	shalt  }
0x77: {  	_ =	shalt  }
0x78: {  	_ =	shalt  }
0x79: {  	_ =	shalt  }
0x7a: {  	_ =	shalt  }
0x7b: {  	_ =	shalt  }
0x7c: {  	_ =	shalt  }
0x7d: {  	_ =	shalt  }
0x7e: {  	_ =	shalt  }
0x7f: {  	_ =	shalt  }
0x80: {  	_ =	shalt  }
0x81: {  	_ =	shalt  }
0x82: {  	_ =	shalt  }
0x83: {  	_ =	shalt  }
0x84: {  	_ =	shalt  }
0x85: {  	_ =	shalt  }
0x86: {  	_ =	shalt  }
0x87: {  	_ =	shalt  }
.Lfunc_end0:
.L_simem_size_0:
called_computation.2_lowered:
.L_overlay_start_0:
0x88: {  	s2 =	sld [smem:$0x3FD9]  }
0x89: {  	s3 =	sld [smem:$0x3FFE];
	_ =	sdelay $0x1  }
0x8a: {  	s1 =	srdreg.scid  }
0x8b: {  	s0 =	sand.u32 $0x1, s1  }
0x8c: {  	s14 =	sshll.u32 s0, $0xA;
	s2 =	sadd.s32 s3, s2  }
0x8d: {  	s2 =	sadd.s32 s2, s14  }
0x8e: {  	[smem:$0x3FC5] =	sst s2  }
0x8f: {  	_ = 	snop  }
0x90: {  	s2 =	sld [smem:$0x3FD0];
	_ =	sdelay $0x2  }
0x91: {  	s15 =	simm.s32 $0xB;
	s4 =	simm.s32 $0x10  }
0x92: {  	[smem:s4], [sflag:s15] =	dma.local [hbm:s2], $0x1  }
0x93: {  	_ =	swait.eq [sflag:s15], $0x1  }
0x94: {  	[sflag:s15] =	ssyncset.done $0x0  }
0x95: {  	[sflag:s15] =	ssyncadd.s32 $0xFFFFFFFF  }
0x96: {  	s16 =	sld [smem:$0x10];
	(tm) =	ssettm $0x1  }
0x97: {  	s17 =	sld [smem:$0x3FFB];
	_ =	sdelay $0x3  }
0x98: {  	_ =	strace s17  }
0x99: {  	s3 =	sld [smem:$0x3FFC];
	_ =	sdelay $0x3  }
0x9a: {  	_ =	strace s3  }
0x9b: {  	s3 =	sld [smem:$0x3FFD];
	_ =	sdelay $0x3  }
0x9c: {  	_ =	strace s3  }
0x9d: {  	_ =	strace $0x8FFFFFFF  }
0x9e: {  	s18 =	sld [smem:$0x3FDB];
	_ =	sdelay $0x1  }
0x9f: {  	s19 =	simm.s32 $_scs_section_size  }
0xa0: {  	s5 =	simm.s32 $_size__tile_overlayer_lowered;
	s6 =	simm.s32 $_tile_overlayer_lowered  }
0xa1: {  	s22 =	simm.s32 $0x1BFF;
	s21 =	sshll.u32 s6, $0x1;
	s3 =	sadd.s32 s19, s18  }
0xa2: {  	s7 =	simm.s32 $0x0;
	s20 =	sshll.u32 s5, $0x1;
	s5 =	sadd.s32 s21, s3  }
0xa3: {  	[timem:s7], [sflag:s22] =	dma.local [hbm:s5], s20  }
0xa4: {  	_ =	swait.ge [sflag:s22], s20  }
0xa5: {  	s4 =	ssub.s32 $0x0, s20;
	[sflag:s22] =	ssyncset.done $0x0  }
0xa6: {  	[sflag:s22] =	ssyncadd.s32 s4;
	_ =	sdelay $0x1  }
0xa7: {  	s23 =	simm.s32 $0x1B8B  }
0xa8: {  	_ =	swait.ge [sflag:s23], $0x1  }
0xa9: {  	[sflag:s23] =	ssyncset.done $0x0  }
0xaa: {  	s25 =	simm.s32 $0x1B8E;
	s24 =	sld [smem:$0x3FFE];
	[sflag:s23] =	ssyncadd.s32 $0xFFFFFFFF  }
0xab: {  	s26 =	simm.s32 $execute0_lowered;
	[smem:$0x3FD2] =	sst s25  }
0xac: {  	s5 =	sshll.u32 s26, $0x1;
	_ =	strace $0x80000046;
	[dreg:$0x1] =	wrdreg $0xFFFFFFFF  }
0xad: {  	s28 =	simm.s32 $_size_execute0_lowered;
	s3 =	sadd.s32 s3, s5;
	[dreg:$0x0] =	wrdreg $0x0  }
0xae: {  	s5 =	sshll.u32 s28, $0x1;
	[dreg:$0x2] =	wrdreg s3  }
0xaf: {  	[dreg:$0x3] =	wrdreg s5  }
0xb0: {  	[dreg:$0x4] =	wrdreg $0xC0  }
0xb1: {  	_ =	task [dreg:s7], $0x5FFFF  }
0xb2: {  	[dreg:$0x1] =	wrdreg $0xFFFFFFFF  }
0xb3: {  	[dreg:$0x0] =	wrdreg $0x60  }
0xb4: {  	[dreg:$0x2] =	wrdreg s24  }
0xb5: {  	[dreg:$0x3] =	wrdreg s16  }
0xb6: {  	[dreg:$0x4] =	wrdreg $0x9  }
0xb7: {  	_ =	task.clear_ibuf [dreg:s7], $0x5FFFF;
	_ =	strace $0x90000046  }
0xb8: {  	s29 =	simm.s32 $0x9;
	_ =	strace $0x80000048  }
0xb9: {  	_ =	swait.ge [sflag:s29], $0x1  }
0xba: {  	[sflag:s29] =	ssyncadd.s32 $0xFFFFFFFF  }
0xbb: {  	_ =	strace $0x90000048  }
0xbc: {  	_ =	sfence  }
0xbd: {  	s30 =	sld [smem:$0x0];
	_ =	sdelay $0x2  }
0xbe: {  	s31 =	sshll.u32 s1, $0xD;
	s1 =	sshrl.u32 s1, $0x2  }
0xbf: {  	s3 =	sand.u32 $0x4000, s31;
	s1 =	sadd.s32 s1, s30  }
0xc0: {  	s0 =	sor.u32 s3, s0;
	s1 =	sshll.u32 s1, $0x11  }
0xc1: {  	s0 =	sor.u32 s1, s0  }
0xc2: {  	s0 =	sadd.s32 $0x8F2B, s0  }
0xc3: {  	[sflag:s0] =	ssyncadd.remote.s32 $0x1  }
0xc4: {  	_ =	sfence.sel $0xFFFF  }
0xc5: {  	[dreg:$0x0] =	wrdreg $0xFFFFFFFF;
	(pc) =	sbr.abs _section_cstart, $3  }
0xc6: {  	[dreg:$0x1] =	wrdreg $0xFFFFFFFF  }
0xc7: {  	_ =	task.clear_ibuf [dreg:s7], $0x2FFFF;
	_ =	strace $0x9FFFFFFF  }
0xc8: {  	(tm) =	ssettm $0x7FFFFFFF  }
0xc9: {  	_ =	shalt  }
tec
execute0_lowered:
.L_overlay_start_1:
0x0: {  	(tag) =	ssettag $0x1  }
0x1: {  	s0 =	rddreg [dreg:$0x0];
	s1 =	srdreg.scid  }
0x2: {  	s12 =	stileid.u32;
	s10 =	rddreg [dreg:$0x1];
	s2 =	simm.s32 $0x0  }
0x3: {  	s13 =	simm.s32 $0x7;
	s14 =	simm.s32 $0x100;
	s15 =	simm.s32 $0x2800  }
0x4: {  	s16 =	simm.s32 $0x6800;
	s17 =	simm.s32 $0x1;
	s19 =	simm.s32 $0xA800  }
0x5: {  	s20 =	simm.s32 $0x2;
	s21 =	simm.s32 $0x4;
	s30 =	smul.u32 $0x5000, s12  }
0x6: {  	s22 =	simm.s32 $0x300;
	s1 =	sand.u32 $0x1, s1;
	s31 =	smul.u32 $0x28000, s12  }
0x7: {  	s3 =	sshll.u32 s12, $0x1;
	[smem:$0x7FF] =	sst s2;
	s11 =	smul.u32 $0x2800, s1  }
0x8: {  	s4 =	sor.u32 s1, s3;
	s6 =	ssub.s32 $0x2, s1;
	s1 =	smul.u32 $0x14000, s1  }
0x9: {  	s23 =	simm.s32 $0x3;
	_ =	strace $0x80000047;
	s5 =	smul.u32 $0x2800, s4  }
0xa: {  	s28 =	simm.s32 $0x0;
	s3 =	sadd.s32 $0xF4D400, s0;
	s7 =	smul.u32 $0xA0000, s4  }
0xb: {  	s25 =	sshrl.u32 s6, $0x1;
	s29 =	smul.u32 $0x14000, s4;
	s11 =	sadd.s32 s11, s30  }
0xc: {  	s24 =	sshrl.u32 s5, $0x3;
	s26 =	sshrl.u32 s7, $0x3;
	s9 =	sshll.u32 s5, $0x3  }
0xd: {  	s7 =	sadd.s32 s10, s29;
	s11 =	sshll.u32 s11, $0x3;
	s8 =	sadd.s32 s24, s0  }
0xe: {  	s0 =	ssub.s32 s6, s25;
	s6 =	sadd.s32 s10, s26;
	s9 =	sadd.s32 s9, s10  }
.Ltmp0:
0xf: {  	s11 =	sadd.s32 s11, s10;
	s24 =	simm.s32 $0x5;
	(pc) =	sbr.rel .LBB2_1-.Ltmp0, $4  }
0x10: {  	s25 =	simm.s32 $0x400;
	s26 =	simm.s32 $0x6;
	s4 =	sadd.s32 $0x1000, s8  }
0x11: {  	s5 =	sadd.s32 $0x13800, s6;
	s6 =	smax.u32 s0, $0x1;
	s0 =	sadd.s32 s31, s10  }
0x12: {  	s8 =	sadd.s32 $0x800, s9;
	s9 =	sadd.s32 $0x1000, s7;
	s0 =	sadd.s32 s1, s0  }
0x13: {  	s10 =	sadd.s32 $0x2000, s11;
	s11 =	sadd.s32 $0x2800, s11;
	s12 =	sadd.s32 $0x1800, s0  }
.LBB2_4:
0x14: {  	_ =	swait.ge [sflag:s26], $0x4000  }
0x15: {  	[sflag:s26] =	ssyncset.done $0x0  }
0x16: {  	[sflag:s26] =	ssyncadd.s32 $0xFFFFC000  }
0x17: {  	s28 =	sadd.s32 $0x1, s28;
	_ =	swait.ge [sflag:s17], $0x4000  }
0x18: {  	p0 =	sne.s32 s28, s6;
	[sflag:s17] =	ssyncset.done $0x0  }
.Ltmp1:
0x19: {  	[sflag:s17] =	ssyncadd.s32 $0xFFFFC000;
	(pc) =	sbr.rel @!p0 .LBB2_5-.Ltmp1, $4  }
0x1a: {  	[hbm4b:s5+s2] =	stream.linear.scatter [tilespmem:s15], [sflag:$0x4], $0x4000, $0x38;
	[tilespmem:$0xE800] =	vst v63  }
0x1b: {  	_ =	swait.ge [sflag:s21], $0x4000  }
0x1c: {  	[sflag:s21] =	ssyncset.done $0x0  }
0x1d: {  	[sflag:s21] =	ssyncadd.s32 $0xFFFFC000  }
.LBB2_1:
0x1e: {  	[tilespmem:s2], [sflag:$0x7] =	stream.linear.gather [hbm4b:s4+s2], $0x2800, $0x38;
	[tilespmem:$0xE800] =	vst v63  }
0x1f: {  	_ =	swait.ge [sflag:s13], $0x2800  }
0x20: {  	[sflag:s13] =	ssyncset.done $0x0  }
0x21: {  	[sflag:s13] =	ssyncadd.s32 $0xFFFFD800  }
0x22: {  	[tilespmem:s15], [sflag:$0x1] =	stream.indirect.gather [hbm4b:s3+s14], $0x40, s2, s14, $0xb8;
	[tilespmem:$0xE800] =	vst v63  }
0x23: {  	_ = 	snop  }
0x24: {  	[tilespmem:s16], [sflag:$0x2] =	stream.indirect.gather [hbm4b:s3+s14], $0x40, s14, s14, $0xb8;
	[tilespmem:$0xE800] =	vst v63  }
0x25: {  	_ =	swait.ge [sflag:s17], $0x4000  }
0x26: {  	[sflag:s17] =	ssyncset.done $0x0  }
0x27: {  	[sflag:s17] =	ssyncadd.s32 $0xFFFFC000  }
0x28: {  	[hbm4b:s7+s2] =	stream.linear.scatter [tilespmem:s15], [sflag:$0x4], $0x4000, $0x38;
	[tilespmem:$0xE800] =	vst v63  }
0x29: {  	s0 =	simm.s32 $0x200  }
0x2a: {  	[tilespmem:s19], [sflag:$0x3] =	stream.indirect.gather [hbm4b:s3+s14], $0x40, s0, s14, $0xb8;
	[tilespmem:$0xE800] =	vst v63  }
0x2b: {  	_ =	swait.ge [sflag:s20], $0x4000  }
0x2c: {  	[sflag:s20] =	ssyncset.done $0x0  }
0x2d: {  	[sflag:s20] =	ssyncadd.s32 $0xFFFFC000  }
0x2e: {  	[hbm4b:s8+s2] =	stream.linear.scatter [tilespmem:s16], [sflag:$0x5], $0x4000, $0x38;
	[tilespmem:$0xE800] =	vst v63  }
0x2f: {  	_ =	swait.ge [sflag:s21], $0x4000  }
0x30: {  	[sflag:s21] =	ssyncset.done $0x0  }
0x31: {  	[sflag:s21] =	ssyncadd.s32 $0xFFFFC000  }
0x32: {  	[tilespmem:s15], [sflag:$0x1] =	stream.indirect.gather [hbm4b:s3+s14], $0x40, s22, s14, $0xb8;
	[tilespmem:$0xE800] =	vst v63  }
0x33: {  	_ =	swait.ge [sflag:s23], $0x4000  }
0x34: {  	[sflag:s23] =	ssyncset.done $0x0  }
0x35: {  	[sflag:s23] =	ssyncadd.s32 $0xFFFFC000  }
0x36: {  	[hbm4b:s9+s2] =	stream.linear.scatter [tilespmem:s19], [sflag:$0x6], $0x4000, $0x38;
	[tilespmem:$0xE800] =	vst v63  }
0x37: {  	_ =	swait.ge [sflag:s24], $0x4000  }
0x38: {  	s29 =	smov.u32 s12;
	s30 =	smov.u32 s11;
	[sflag:s24] =	ssyncset.done $0x0  }
0x39: {  	s31 =	smov.u32 s10;
	s1 =	simm.s32 $0x0;
	[sflag:s24] =	ssyncadd.s32 $0xFFFFC000  }
0x3a: {  	[tilespmem:s16], [sflag:$0x2] =	stream.indirect.gather [hbm4b:s3+s14], $0x40, s25, s14, $0xb8;
	[tilespmem:$0xE800] =	vst v63  }
.LBB2_2:
0x3b: {  	_ =	swait.ge [sflag:s17], $0x4000  }
0x3c: {  	[sflag:s17] =	ssyncset.done $0x0  }
0x3d: {  	[sflag:s17] =	ssyncadd.s32 $0xFFFFC000  }
0x3e: {  	[hbm4b:s29+s2] =	stream.linear.scatter [tilespmem:s15], [sflag:$0x4], $0x4000, $0x38;
	[tilespmem:$0xE800] =	vst v63  }
0x3f: {  	_ =	swait.ge [sflag:s26], $0x4000  }
0x40: {  	s0 =	sshra.s32 s1, $0x2;
	[sflag:s26] =	ssyncset.done $0x0  }
0x41: {  	s18 =	sadd.s32 $0x500, s0;
	[sflag:s26] =	ssyncadd.s32 $0xFFFFC000  }
0x42: {  	[tilespmem:s19], [sflag:$0x3] =	stream.indirect.gather [hbm4b:s3+s14], $0x40, s18, s14, $0xb8;
	[tilespmem:$0xE800] =	vst v63  }
0x43: {  	_ =	swait.ge [sflag:s20], $0x4000  }
0x44: {  	[sflag:s20] =	ssyncset.done $0x0  }
0x45: {  	[sflag:s20] =	ssyncadd.s32 $0xFFFFC000  }
0x46: {  	[hbm4b:s31+s2] =	stream.linear.scatter [tilespmem:s16], [sflag:$0x5], $0x4000, $0x38;
	[tilespmem:$0xE800] =	vst v63  }
0x47: {  	_ =	swait.ge [sflag:s21], $0x4000  }
0x48: {  	[sflag:s21] =	ssyncset.done $0x0  }
0x49: {  	s18 =	sadd.s32 $0x600, s0;
	[sflag:s21] =	ssyncadd.s32 $0xFFFFC000  }
0x4a: {  	[tilespmem:s15], [sflag:$0x1] =	stream.indirect.gather [hbm4b:s3+s14], $0x40, s18, s14, $0xb8;
	[tilespmem:$0xE800] =	vst v63  }
0x4b: {  	_ =	swait.ge [sflag:s23], $0x4000  }
0x4c: {  	p0 =	seq.s32 s1, $0x8400;
	[sflag:s23] =	ssyncset.done $0x0  }
.Ltmp2:
0x4d: {  	[sflag:s23] =	ssyncadd.s32 $0xFFFFC000;
	(pc) =	sbr.rel @p0 .LBB2_4-.Ltmp2, $4  }
0x4e: {  	[hbm4b:s30+s2] =	stream.linear.scatter [tilespmem:s19], [sflag:$0x6], $0x4000, $0x38;
	[tilespmem:$0xE800] =	vst v63  }
0x4f: {  	_ =	swait.ge [sflag:s24], $0x4000  }
0x50: {  	[sflag:s24] =	ssyncset.done $0x0  }
0x51: {  	[sflag:s24] =	ssyncadd.s32 $0xFFFFC000  }
.Ltmp3:
0x52: {  	(pc) =	sbr.rel .LBB2_2-.Ltmp3, $4  }
0x53: {  	_ = 	snop  }
0x54: {  	s0 =	sadd.s32 $0x700, s0;
	s1 =	sadd.s32 $0xC00, s1  }
0x55: {  	s31 =	sadd.s32 $0x1800, s31;
	s30 =	sadd.s32 $0x1800, s30;
	s29 =	sadd.s32 $0x1800, s29  }
0x56: {  	[tilespmem:s16], [sflag:$0x2] =	stream.indirect.gather [hbm4b:s3+s14], $0x40, s0, s14, $0xb8;
	[tilespmem:$0xE800] =	vst v63  }
.LBB2_5:
0x57: {  	_ =	sfence.sel $0x180000  }
0x58: {  	[bflag:$0x0] =	sbarrier.arrive $0xFFFF  }
0x59: {  	_ =	strace $0x90000047  }
0x5a: {  	s0 =	stileid.u32;
	[bflag:$0x2] =	sbarrier.arrive $0xFFFF  }
0x5b: {  	p0 =	sne.s32 s0, $0x0;
	s0 =	rddreg [dreg:$0x2]  }
0x5c: {  	s0 =	sadd.s32 @!p0 $0x100000, s0  }
0x5d: {  	[sflag:s0] =	ssyncadd.tile.s32 @!p0 $0x1;
	_ =	shalt  }
.Lfunc_end2:
_tile_overlayer_lowered:
.L_overlay_start_2:
0x5e: {  	(tag) =	ssettag $0x2  }
0x5f: {  	s0 =	rddreg [dreg:$0x0];
	s2 =	stileid.u32  }
0x60: {  	s1 =	rddreg [dreg:$0x1];
	p0 =	sne.s32 s2, $0x0  }
0x61: {  	s3 =	rddreg [dreg:$0x2];
	[bflag:$0x3] =	sbarrier.arrive $0xFFFF;
	s2 =	simm.s32 @!p0 $0x1C07  }
0x62: {  	[timem:s3], [sflag:s2] =	dma.local @!p0 [hbm:s0], s1  }
0x63: {  	s0 =	simm.s32 @!p0 $0x7  }
0x64: {  	_ =	swait.ge @!p0 [sflag:s0], s1  }
0x65: {  	s1 =	ssub.s32 @!p0 $0x0, s1;
	[sflag:s0] =	ssyncset.done @!p0 $0x0  }
0x66: {  	[sflag:s0] =	ssyncadd.s32 @!p0 s1  }
0x67: {  	[bflag:$0x3] =	sbarrier.arrive $0xFFFF  }
0x68: {  	_ =	shalt  }

// kernel: kernel.7.cloned.1.call-start
scs
__scs_entry_jumppad:
0x0: {  	(pc) =	sbr.rel $0x88, $3  }
0x1: {  	(tag) =	ssettag $0x0;
	lr =	simm.s32 $0x1  }
0x2: {  	[smem:$0x3F9E] =	sst lr;
	_ =	strace $0xD0000000  }
0x3: {  	_ = 	snop  }
0x4: {  	_ = 	snop  }
0x5: {  	_ = 	snop  }
0x6: {  	_ = 	snop  }
0x7: {  	_ = 	snop  }
__scs_overlays_trampoline_lowered:
0x8: {  	[smem:$0x3FAD] =	sst s0  }
0x9: {  	[smem:$0x3FAE] =	sst s1  }
0xa: {  	[smem:$0x3FAF] =	sst s2  }
0xb: {  	[smem:$0x3FB0] =	sst s3  }
0xc: {  	[smem:$0x3FB1] =	sst s4  }
0xd: {  	[smem:$0x3FB2] =	sst s5  }
0xe: {  	[smem:$0x3FB3] =	sst s6  }
0xf: {  	[smem:$0x3FB4] =	sst s7  }
0x10: {  	[smem:$0x3FB5] =	sst s8  }
0x11: {  	[smem:$0x3FB6] =	sst s9;
	s0 =	simm.s32 @!p0 $0x0  }
0x12: {  	s1 =	sld [smem:$0x3F9C];
	s0 =	simm.s32 @p0 $0x1  }
0x13: {  	[smem:$0x3FB7] =	sst s0;
	s0 =	simm.s32 @!p1 $0x0  }
0x14: {  	s2 =	sld [smem:$0x3F9B];
	s0 =	simm.s32 @p1 $0x1  }
0x15: {  	[smem:$0x3FB8] =	sst s0;
	s0 =	simm.s32 @!p2 $0x0  }
0x16: {  	s3 =	sld [smem:$0x3FDB];
	s0 =	simm.s32 @p2 $0x1  }
0x17: {  	s4 =	simm.s32 $0x1BF5;
	[smem:$0x3FBA] =	sst s0  }
0x18: {  	s0 =	sld [smem:$0x3F9D];
	_ =	swait.ge [sflag:s4], $0x0  }
0x19: {  	s7 =	sld [smem:$0x3F9E]  }
0x1a: {  	s8 =	sadd.s32 $0xFFFFE003, lr  }
0x1b: {  	s9 =	sadd.s32 $0xFFFFFEF7, lr;
	s5 =	simm.s32 $0xFFFFFFFF;
	p2 =	slt.u32 s8, $0xFFFFF086  }
0x1c: {  	p1 =	slt.u32 s9, $0xF7A;
	s5 =	simm.s32 @!p2 $0x0  }
0x1d: {  	s5 =	simm.s32 @p1 $0x1;
	p0 =	seq.s32 s7, s2  }
0x1e: {  	s7 =	smul.u32 @!p0 $0xF7A, s2;
	p2 =	seq.s32 @!p0 s5, $0x0  }
0x1f: {  	s9 =	smul.u32 $0xF7A, s1;
	s8 =	simm.s32 @!p0 $0x1BF5;
	p2 =	por !p2, p0  }
0x20: {  	[sflag:s8] =	ssyncset.s32 @!p0 $0xFFFFF086;
	s6 =	sadd.s32 @!p0 s3, s7;
	s7 =	simm.s32 @!p0 $0x108  }
0x21: {  	s3 =	sadd.s32 s3, s9;
	s6 =	sadd.s32 @!p0 $0x88, s6;
	s7 =	simm.s32 @p2 $0x1082  }
0x22: {  	[simem:s7], [sflag:s8] =	dma.local @!p0 [hbm:s6], $0xF7A  }
0x23: {  	s9 =	sor.u32 $0xD0000000, s2;
	s6 =	simm.s32 $0x108;
	_ =	swait.ge @!p0 [sflag:s8], $0x0  }
0x24: {  	s3 =	sadd.s32 $0x88, s3;
	s6 =	simm.s32 @!p1 $0x1082;
	[sflag:s4] =	ssyncset.s32 $0xFFFFF086  }
0x25: {  	[simem:s6], [sflag:s4] =	dma.local [hbm:s3], $0xF7A  }
0x26: {  	[smem:$0x3F9E] =	sst s1;
	(tag) =	ssettag s2;
	_ =	strace s9  }
0x27: {  	s1 =	sld [smem:$0x3FAE]  }
0x28: {  	s2 =	sld [smem:$0x3FAF]  }
0x29: {  	s4 =	sld [smem:$0x3FB1]  }
0x2a: {  	p0 =	seq.s32 s5, $0x0;
	s5 =	sld [smem:$0x3FB2]  }
0x2b: {  	s6 =	sld [smem:$0x3FB3]  }
0x2c: {  	s7 =	sld [smem:$0x3FB4]  }
0x2d: {  	s3 =	simm.s32 $0x108;
	s8 =	sld [smem:$0x3FB5]  }
0x2e: {  	s3 =	simm.s32 @!p0 $0x1082;
	s9 =	sld [smem:$0x3FB6]  }
0x2f: {  	lr =	sadd.s32 s0, s3;
	s0 =	sld [smem:$0x3FAD]  }
0x30: {  	s3 =	sld [smem:$0x3FB0]  }
0x31: {  	[smem:$0x3FB9] =	sst s10  }
0x32: {  	s10 =	sld [smem:$0x3FB7];
	_ =	sdelay $0x3  }
0x33: {  	p0 =	seq.s32 s10, $0x1;
	s10 =	sld [smem:$0x3FB9];
	_ =	sdelay $0x3  }
0x34: {  	[smem:$0x3FB9] =	sst s10  }
0x35: {  	s10 =	sld [smem:$0x3FB8];
	_ =	sdelay $0x3  }
0x36: {  	p1 =	seq.s32 s10, $0x1;
	s10 =	sld [smem:$0x3FB9];
	_ =	sdelay $0x3  }
0x37: {  	[smem:$0x3FB9] =	sst s10  }
0x38: {  	s10 =	sld [smem:$0x3FBA]  }
0x39: {  	_ = 	snop;
	(pc) =	sbr.ind lr, $3  }
0x3a: {  	_ = 	snop  }
0x3b: {  	_ = 	snop  }
0x3c: {  	p2 =	seq.s32 s10, $0x1;
	s10 =	sld [smem:$0x3FB9]  }
0x3d: {  	_ =	shalt  }
0x3e: {  	_ =	shalt  }
0x3f: {  	_ =	shalt  }
0x40: {  	_ =	shalt  }
0x41: {  	_ =	shalt  }
0x42: {  	_ =	shalt  }
0x43: {  	_ =	shalt  }
0x44: {  	_ =	shalt  }
0x45: {  	_ =	shalt  }
0x46: {  	_ =	shalt  }
0x47: {  	_ =	shalt  }
0x48: {  	_ =	shalt  }
0x49: {  	_ =	shalt  }
0x4a: {  	_ =	shalt  }
0x4b: {  	_ =	shalt  }
0x4c: {  	_ =	shalt  }
0x4d: {  	_ =	shalt  }
0x4e: {  	_ =	shalt  }
0x4f: {  	_ =	shalt  }
0x50: {  	_ =	shalt  }
0x51: {  	_ =	shalt  }
0x52: {  	_ =	shalt  }
0x53: {  	_ =	shalt  }
0x54: {  	_ =	shalt  }
0x55: {  	_ =	shalt  }
0x56: {  	_ =	shalt  }
0x57: {  	_ =	shalt  }
0x58: {  	_ =	shalt  }
0x59: {  	_ =	shalt  }
0x5a: {  	_ =	shalt  }
0x5b: {  	_ =	shalt  }
0x5c: {  	_ =	shalt  }
0x5d: {  	_ =	shalt  }
0x5e: {  	_ =	shalt  }
0x5f: {  	_ =	shalt  }
0x60: {  	_ =	shalt  }
0x61: {  	_ =	shalt  }
0x62: {  	_ =	shalt  }
0x63: {  	_ =	shalt  }
0x64: {  	_ =	shalt  }
0x65: {  	_ =	shalt  }
0x66: {  	_ =	shalt  }
0x67: {  	_ =	shalt  }
0x68: {  	_ =	shalt  }
0x69: {  	_ =	shalt  }
0x6a: {  	_ =	shalt  }
0x6b: {  	_ =	shalt  }
0x6c: {  	_ =	shalt  }
0x6d: {  	_ =	shalt  }
0x6e: {  	_ =	shalt  }
0x6f: {  	_ =	shalt  }
0x70: {  	_ =	shalt  }
0x71: {  	_ =	shalt  }
0x72: {  	_ =	shalt  }
0x73: {  	_ =	shalt  }
0x74: {  	_ =	shalt  }
0x75: {  	_ =	shalt  }
0x76: {  	_ =	shalt  }
0x77: {  	_ =	shalt  }
0x78: {  	_ =	shalt  }
0x79: {  	_ =	shalt  }
0x7a: {  	_ =	shalt  }
0x7b: {  	_ =	shalt  }
0x7c: {  	_ =	shalt  }
0x7d: {  	_ =	shalt  }
0x7e: {  	_ =	shalt  }
0x7f: {  	_ =	shalt  }
0x80: {  	_ =	shalt  }
0x81: {  	_ =	shalt  }
0x82: {  	_ =	shalt  }
0x83: {  	_ =	shalt  }
0x84: {  	_ =	shalt  }
0x85: {  	_ =	shalt  }
0x86: {  	_ =	shalt  }
0x87: {  	_ =	shalt  }
.Lfunc_end0:
.L_simem_size_0:
called_computation.3_lowered:
.L_overlay_start_0:
0x88: {  	s2 =	sld [smem:$0x3FD9]  }
0x89: {  	s3 =	sld [smem:$0x3FFE];
	_ =	sdelay $0x1  }
0x8a: {  	s1 =	srdreg.scid  }
0x8b: {  	s0 =	sand.u32 $0x1, s1  }
0x8c: {  	s15 =	sshll.u32 s0, $0xA;
	s2 =	sadd.s32 s3, s2  }
0x8d: {  	s2 =	sadd.s32 s2, s15  }
0x8e: {  	[smem:$0x3FC5] =	sst s2  }
0x8f: {  	_ = 	snop  }
0x90: {  	s2 =	sld [smem:$0x3FD0];
	_ =	sdelay $0x2  }
0x91: {  	s16 =	simm.s32 $0xB;
	s4 =	simm.s32 $0x10  }
0x92: {  	[smem:s4], [sflag:s16] =	dma.local [hbm:s2], $0x1  }
0x93: {  	_ =	swait.eq [sflag:s16], $0x1  }
0x94: {  	[sflag:s16] =	ssyncset.done $0x0  }
0x95: {  	[sflag:s16] =	ssyncadd.s32 $0xFFFFFFFF  }
0x96: {  	s17 =	sld [smem:$0x11];
	(tm) =	ssettm $0x1  }
0x97: {  	s18 =	sld [smem:$0x3FFB];
	_ =	sdelay $0x3  }
0x98: {  	_ =	strace s18  }
0x99: {  	s2 =	sld [smem:$0x3FFC];
	_ =	sdelay $0x3  }
0x9a: {  	_ =	strace s2  }
0x9b: {  	s2 =	sld [smem:$0x3FFD];
	_ =	sdelay $0x3  }
0x9c: {  	_ =	strace s2  }
0x9d: {  	_ =	strace $0x8FFFFFFF  }
0x9e: {  	s19 =	sld [smem:$0x3FDB];
	_ =	sdelay $0x1  }
0x9f: {  	s20 =	simm.s32 $_scs_section_size  }
0xa0: {  	s5 =	simm.s32 $_size__tile_overlayer_lowered;
	s6 =	simm.s32 $_tile_overlayer_lowered  }
0xa1: {  	s7 =	simm.s32 $0x1BFF;
	s21 =	sshll.u32 s6, $0x1;
	s4 =	sadd.s32 s20, s19  }
0xa2: {  	s22 =	simm.s32 $0x0;
	s5 =	sshll.u32 s5, $0x1;
	s6 =	sadd.s32 s21, s4  }
0xa3: {  	[timem:s22], [sflag:s7] =	dma.local [hbm:s6], s5  }
0xa4: {  	_ =	swait.ge [sflag:s7], s5  }
0xa5: {  	s5 =	ssub.s32 $0x0, s5;
	[sflag:s7] =	ssyncset.done $0x0  }
0xa6: {  	[sflag:s7] =	ssyncadd.s32 s5;
	_ =	sdelay $0x1  }
0xa7: {  	s23 =	simm.s32 $0x1B8B  }
0xa8: {  	_ =	swait.ge [sflag:s23], $0x1  }
0xa9: {  	[sflag:s23] =	ssyncset.done $0x0  }
0xaa: {  	[sflag:s23] =	ssyncadd.s32 $0xFFFFFFFF  }
0xab: {  	s5 =	sld [smem:$0x0]  }
0xac: {  	s6 =	sand.u32 $0xFFFFFFFE, s1  }
0xad: {  	p0 =	sne.s32 s1, s6  }
0xae: {  	s6 =	sshll.u32 @p0 s6, $0xE  }
0xaf: {  	s6 =	sadd.s32 @p0 $0x11B8D, s6;
	s7 =	sshll.u32 @p0 s5, $0x11  }
0xb0: {  	s6 =	sor.u32 @p0 s7, s6  }
0xb1: {  	[sflag:s6] =	ssyncadd.remote.s32 @p0 $0x1;
	_ =	sdelay $0x1  }
0xb2: {  	s6 =	simm.s32 @p0 $0x1B8D  }
0xb3: {  	_ =	swait.eq @p0 [sflag:s6], $0x1  }
0xb4: {  	[sflag:s6] =	ssyncadd.s32 @p0 $0xFFFFFFFF  }
0xb5: {  	s7 =	sshll.u32 @!p0 s1, $0xE  }
0xb6: {  	s7 =	sor.u32 @!p0 $0x4000, s7;
	s6 =	simm.s32 @!p0 $0x1B8D  }
0xb7: {  	s5 =	sshll.u32 @!p0 s5, $0x11;
	s7 =	sadd.s32 @!p0 $0x11B8D, s7;
	_ =	swait.eq @!p0 [sflag:s6], $0x1  }
0xb8: {  	s5 =	sor.u32 @!p0 s5, s7;
	[sflag:s6] =	ssyncadd.s32 @!p0 $0xFFFFFFFF  }
0xb9: {  	s25 =	simm.s32 $0x1B8E;
	s24 =	sld [smem:$0x3FFE];
	[sflag:s5] =	ssyncadd.remote.s32 @!p0 $0x1  }
0xba: {  	s26 =	simm.s32 $execute0_lowered;
	[smem:$0x3FD2] =	sst s25  }
0xbb: {  	s6 =	sshll.u32 s26, $0x1;
	_ =	strace $0x80000049;
	[dreg:$0x1] =	wrdreg $0xFFFFFFFF  }
0xbc: {  	s28 =	simm.s32 $_size_execute0_lowered;
	s4 =	sadd.s32 s4, s6;
	[dreg:$0x0] =	wrdreg $0x0  }
0xbd: {  	s6 =	sshll.u32 s28, $0x1;
	[dreg:$0x2] =	wrdreg s4  }
0xbe: {  	[dreg:$0x3] =	wrdreg s6  }
0xbf: {  	[dreg:$0x4] =	wrdreg $0xC0  }
0xc0: {  	_ =	task [dreg:s22], $0x5FFFF  }
0xc1: {  	[dreg:$0x1] =	wrdreg $0xFFFFFFFF  }
0xc2: {  	[dreg:$0x0] =	wrdreg $0x60  }
0xc3: {  	[dreg:$0x2] =	wrdreg s24  }
0xc4: {  	[dreg:$0x3] =	wrdreg s17  }
0xc5: {  	[dreg:$0x4] =	wrdreg $0xA  }
0xc6: {  	_ =	task.clear_ibuf [dreg:s22], $0x5FFFF;
	_ =	strace $0x90000049  }
0xc7: {  	s29 =	simm.s32 $0xA;
	_ =	strace $0x8000004B  }
0xc8: {  	_ =	swait.ge [sflag:s29], $0x1  }
0xc9: {  	[sflag:s29] =	ssyncadd.s32 $0xFFFFFFFF  }
0xca: {  	_ =	strace $0x9000004B  }
0xcb: {  	_ =	sfence  }
0xcc: {  	s30 =	sld [smem:$0x0];
	_ =	sdelay $0x2  }
0xcd: {  	s31 =	sshll.u32 s1, $0xD;
	s1 =	sshrl.u32 s1, $0x2  }
0xce: {  	s4 =	sand.u32 $0x4000, s31;
	s1 =	sadd.s32 s1, s30  }
0xcf: {  	s0 =	sor.u32 s4, s0;
	s1 =	sshll.u32 s1, $0x11  }
0xd0: {  	s0 =	sor.u32 s1, s0  }
0xd1: {  	s0 =	sadd.s32 $0x8F2B, s0  }
0xd2: {  	[sflag:s0] =	ssyncadd.remote.s32 $0x1  }
0xd3: {  	_ =	sfence.sel $0xFFFF  }
0xd4: {  	[dreg:$0x0] =	wrdreg $0xFFFFFFFF;
	(pc) =	sbr.abs _section_cstart, $3  }
0xd5: {  	[dreg:$0x1] =	wrdreg $0xFFFFFFFF  }
0xd6: {  	_ =	task.clear_ibuf [dreg:s22], $0x2FFFF;
	_ =	strace $0x9FFFFFFF  }
0xd7: {  	(tm) =	ssettm $0x7FFFFFFF  }
tec
execute0_lowered:
.L_overlay_start_1:
0x0: {  	(tag) =	ssettag $0x1  }
0x1: {  	s0 =	rddreg [dreg:$0x0];
	s1 =	srdreg.scid  }
0x2: {  	s12 =	stileid.u32;
	s10 =	rddreg [dreg:$0x1];
	s2 =	simm.s32 $0x0  }
0x3: {  	s13 =	simm.s32 $0x7;
	s14 =	simm.s32 $0x100;
	s15 =	simm.s32 $0x2800  }
0x4: {  	s16 =	simm.s32 $0x6800;
	s17 =	simm.s32 $0x1;
	s19 =	simm.s32 $0xA800  }
0x5: {  	s20 =	simm.s32 $0x2;
	s21 =	simm.s32 $0x4;
	s30 =	smul.u32 $0x5000, s12  }
0x6: {  	s22 =	simm.s32 $0x300;
	s1 =	sand.u32 $0x1, s1;
	s31 =	smul.u32 $0x28000, s12  }
0x7: {  	s3 =	sshll.u32 s12, $0x1;
	[smem:$0x7FF] =	sst s2;
	s11 =	smul.u32 $0x2800, s1  }
0x8: {  	s4 =	sor.u32 s1, s3;
	s6 =	ssub.s32 $0x2, s1;
	s1 =	smul.u32 $0x14000, s1  }
0x9: {  	s23 =	simm.s32 $0x3;
	_ =	strace $0x8000004A;
	s5 =	smul.u32 $0x2800, s4  }
0xa: {  	s28 =	simm.s32 $0x0;
	s3 =	sadd.s32 $0x16EE600, s0;
	s7 =	smul.u32 $0xA0000, s4  }
0xb: {  	s25 =	sshrl.u32 s6, $0x1;
	s29 =	smul.u32 $0x14000, s4;
	s11 =	sadd.s32 s11, s30  }
0xc: {  	s24 =	sshrl.u32 s5, $0x3;
	s26 =	sshrl.u32 s7, $0x3;
	s9 =	sshll.u32 s5, $0x3  }
0xd: {  	s7 =	sadd.s32 s10, s29;
	s11 =	sshll.u32 s11, $0x3;
	s8 =	sadd.s32 s24, s0  }
0xe: {  	s0 =	ssub.s32 s6, s25;
	s6 =	sadd.s32 s10, s26;
	s9 =	sadd.s32 s9, s10  }
.Ltmp0:
0xf: {  	s11 =	sadd.s32 s11, s10;
	s24 =	simm.s32 $0x5;
	(pc) =	sbr.rel .LBB2_1-.Ltmp0, $4  }
0x10: {  	s25 =	simm.s32 $0x400;
	s26 =	simm.s32 $0x6;
	s4 =	sadd.s32 $0x1000, s8  }
0x11: {  	s5 =	sadd.s32 $0x13800, s6;
	s6 =	smax.u32 s0, $0x1;
	s0 =	sadd.s32 s31, s10  }
0x12: {  	s8 =	sadd.s32 $0x800, s9;
	s9 =	sadd.s32 $0x1000, s7;
	s0 =	sadd.s32 s1, s0  }
0x13: {  	s10 =	sadd.s32 $0x2000, s11;
	s11 =	sadd.s32 $0x2800, s11;
	s12 =	sadd.s32 $0x1800, s0  }
.LBB2_4:
0x14: {  	_ =	swait.ge [sflag:s26], $0x4000  }
0x15: {  	[sflag:s26] =	ssyncset.done $0x0  }
0x16: {  	[sflag:s26] =	ssyncadd.s32 $0xFFFFC000  }
0x17: {  	s28 =	sadd.s32 $0x1, s28;
	_ =	swait.ge [sflag:s17], $0x4000  }
0x18: {  	p0 =	sne.s32 s28, s6;
	[sflag:s17] =	ssyncset.done $0x0  }
.Ltmp1:
0x19: {  	[sflag:s17] =	ssyncadd.s32 $0xFFFFC000;
	(pc) =	sbr.rel @!p0 .LBB2_5-.Ltmp1, $4  }
0x1a: {  	[hbm4b:s5+s2] =	stream.linear.scatter [tilespmem:s15], [sflag:$0x4], $0x4000, $0x38;
	[tilespmem:$0xE800] =	vst v63  }
0x1b: {  	_ =	swait.ge [sflag:s21], $0x4000  }
0x1c: {  	[sflag:s21] =	ssyncset.done $0x0  }
0x1d: {  	[sflag:s21] =	ssyncadd.s32 $0xFFFFC000  }
.LBB2_1:
0x1e: {  	[tilespmem:s2], [sflag:$0x7] =	stream.linear.gather [hbm4b:s4+s2], $0x2800, $0x38;
	[tilespmem:$0xE800] =	vst v63  }
0x1f: {  	_ =	swait.ge [sflag:s13], $0x2800  }
0x20: {  	[sflag:s13] =	ssyncset.done $0x0  }
0x21: {  	[sflag:s13] =	ssyncadd.s32 $0xFFFFD800  }
0x22: {  	[tilespmem:s15], [sflag:$0x1] =	stream.indirect.gather [hbm4b:s3+s14], $0x40, s2, s14, $0xb8;
	[tilespmem:$0xE800] =	vst v63  }
0x23: {  	_ = 	snop  }
0x24: {  	[tilespmem:s16], [sflag:$0x2] =	stream.indirect.gather [hbm4b:s3+s14], $0x40, s14, s14, $0xb8;
	[tilespmem:$0xE800] =	vst v63  }
0x25: {  	_ =	swait.ge [sflag:s17], $0x4000  }
0x26: {  	[sflag:s17] =	ssyncset.done $0x0  }
0x27: {  	[sflag:s17] =	ssyncadd.s32 $0xFFFFC000  }
0x28: {  	[hbm4b:s7+s2] =	stream.linear.scatter [tilespmem:s15], [sflag:$0x4], $0x4000, $0x38;
	[tilespmem:$0xE800] =	vst v63  }
0x29: {  	s0 =	simm.s32 $0x200  }
0x2a: {  	[tilespmem:s19], [sflag:$0x3] =	stream.indirect.gather [hbm4b:s3+s14], $0x40, s0, s14, $0xb8;
	[tilespmem:$0xE800] =	vst v63  }
0x2b: {  	_ =	swait.ge [sflag:s20], $0x4000  }
0x2c: {  	[sflag:s20] =	ssyncset.done $0x0  }
0x2d: {  	[sflag:s20] =	ssyncadd.s32 $0xFFFFC000  }
0x2e: {  	[hbm4b:s8+s2] =	stream.linear.scatter [tilespmem:s16], [sflag:$0x5], $0x4000, $0x38;
	[tilespmem:$0xE800] =	vst v63  }
0x2f: {  	_ =	swait.ge [sflag:s21], $0x4000  }
0x30: {  	[sflag:s21] =	ssyncset.done $0x0  }
0x31: {  	[sflag:s21] =	ssyncadd.s32 $0xFFFFC000  }
0x32: {  	[tilespmem:s15], [sflag:$0x1] =	stream.indirect.gather [hbm4b:s3+s14], $0x40, s22, s14, $0xb8;
	[tilespmem:$0xE800] =	vst v63  }
0x33: {  	_ =	swait.ge [sflag:s23], $0x4000  }
0x34: {  	[sflag:s23] =	ssyncset.done $0x0  }
0x35: {  	[sflag:s23] =	ssyncadd.s32 $0xFFFFC000  }
0x36: {  	[hbm4b:s9+s2] =	stream.linear.scatter [tilespmem:s19], [sflag:$0x6], $0x4000, $0x38;
	[tilespmem:$0xE800] =	vst v63  }
0x37: {  	_ =	swait.ge [sflag:s24], $0x4000  }
0x38: {  	s29 =	smov.u32 s12;
	s30 =	smov.u32 s11;
	[sflag:s24] =	ssyncset.done $0x0  }
0x39: {  	s31 =	smov.u32 s10;
	s1 =	simm.s32 $0x0;
	[sflag:s24] =	ssyncadd.s32 $0xFFFFC000  }
0x3a: {  	[tilespmem:s16], [sflag:$0x2] =	stream.indirect.gather [hbm4b:s3+s14], $0x40, s25, s14, $0xb8;
	[tilespmem:$0xE800] =	vst v63  }
.LBB2_2:
0x3b: {  	_ =	swait.ge [sflag:s17], $0x4000  }
0x3c: {  	[sflag:s17] =	ssyncset.done $0x0  }
0x3d: {  	[sflag:s17] =	ssyncadd.s32 $0xFFFFC000  }
0x3e: {  	[hbm4b:s29+s2] =	stream.linear.scatter [tilespmem:s15], [sflag:$0x4], $0x4000, $0x38;
	[tilespmem:$0xE800] =	vst v63  }
0x3f: {  	_ =	swait.ge [sflag:s26], $0x4000  }
0x40: {  	s0 =	sshra.s32 s1, $0x2;
	[sflag:s26] =	ssyncset.done $0x0  }
0x41: {  	s18 =	sadd.s32 $0x500, s0;
	[sflag:s26] =	ssyncadd.s32 $0xFFFFC000  }
0x42: {  	[tilespmem:s19], [sflag:$0x3] =	stream.indirect.gather [hbm4b:s3+s14], $0x40, s18, s14, $0xb8;
	[tilespmem:$0xE800] =	vst v63  }
0x43: {  	_ =	swait.ge [sflag:s20], $0x4000  }
0x44: {  	[sflag:s20] =	ssyncset.done $0x0  }
0x45: {  	[sflag:s20] =	ssyncadd.s32 $0xFFFFC000  }
0x46: {  	[hbm4b:s31+s2] =	stream.linear.scatter [tilespmem:s16], [sflag:$0x5], $0x4000, $0x38;
	[tilespmem:$0xE800] =	vst v63  }
0x47: {  	_ =	swait.ge [sflag:s21], $0x4000  }
0x48: {  	[sflag:s21] =	ssyncset.done $0x0  }
0x49: {  	s18 =	sadd.s32 $0x600, s0;
	[sflag:s21] =	ssyncadd.s32 $0xFFFFC000  }
0x4a: {  	[tilespmem:s15], [sflag:$0x1] =	stream.indirect.gather [hbm4b:s3+s14], $0x40, s18, s14, $0xb8;
	[tilespmem:$0xE800] =	vst v63  }
0x4b: {  	_ =	swait.ge [sflag:s23], $0x4000  }
0x4c: {  	p0 =	seq.s32 s1, $0x8400;
	[sflag:s23] =	ssyncset.done $0x0  }
.Ltmp2:
0x4d: {  	[sflag:s23] =	ssyncadd.s32 $0xFFFFC000;
	(pc) =	sbr.rel @p0 .LBB2_4-.Ltmp2, $4  }
0x4e: {  	[hbm4b:s30+s2] =	stream.linear.scatter [tilespmem:s19], [sflag:$0x6], $0x4000, $0x38;
	[tilespmem:$0xE800] =	vst v63  }
0x4f: {  	_ =	swait.ge [sflag:s24], $0x4000  }
0x50: {  	[sflag:s24] =	ssyncset.done $0x0  }
0x51: {  	[sflag:s24] =	ssyncadd.s32 $0xFFFFC000  }
.Ltmp3:
0x52: {  	(pc) =	sbr.rel .LBB2_2-.Ltmp3, $4  }
0x53: {  	_ = 	snop  }
0x54: {  	s0 =	sadd.s32 $0x700, s0;
	s1 =	sadd.s32 $0xC00, s1  }
0x55: {  	s31 =	sadd.s32 $0x1800, s31;
	s30 =	sadd.s32 $0x1800, s30;
	s29 =	sadd.s32 $0x1800, s29  }
0x56: {  	[tilespmem:s16], [sflag:$0x2] =	stream.indirect.gather [hbm4b:s3+s14], $0x40, s0, s14, $0xb8;
	[tilespmem:$0xE800] =	vst v63  }
.LBB2_5:
0x57: {  	_ =	sfence.sel $0x180000  }
0x58: {  	[bflag:$0x0] =	sbarrier.arrive $0xFFFF  }
0x59: {  	_ =	strace $0x9000004A  }
0x5a: {  	s0 =	stileid.u32;
	[bflag:$0x2] =	sbarrier.arrive $0xFFFF  }
0x5b: {  	p0 =	sne.s32 s0, $0x0;
	s0 =	rddreg [dreg:$0x2]  }
0x5c: {  	s0 =	sadd.s32 @!p0 $0x100000, s0  }
0x5d: {  	[sflag:s0] =	ssyncadd.tile.s32 @!p0 $0x1;
	_ =	shalt  }
.Lfunc_end2:
_tile_overlayer_lowered:
.L_overlay_start_2:
0x5e: {  	(tag) =	ssettag $0x2  }
0x5f: {  	s0 =	rddreg [dreg:$0x0];
	s2 =	stileid.u32  }
0x60: {  	s1 =	rddreg [dreg:$0x1];
	p0 =	sne.s32 s2, $0x0  }
0x61: {  	s3 =	rddreg [dreg:$0x2];
	[bflag:$0x3] =	sbarrier.arrive $0xFFFF;
	s2 =	simm.s32 @!p0 $0x1C07  }
0x62: {  	[timem:s3], [sflag:s2] =	dma.local @!p0 [hbm:s0], s1  }
0x63: {  	s0 =	simm.s32 @!p0 $0x7  }
0x64: {  	_ =	swait.ge @!p0 [sflag:s0], s1  }
0x65: {  	s1 =	ssub.s32 @!p0 $0x0, s1;
	[sflag:s0] =	ssyncset.done @!p0 $0x0  }
0x66: {  	[sflag:s0] =	ssyncadd.s32 @!p0 s1  }
0x67: {  	[bflag:$0x3] =	sbarrier.arrive $0xFFFF  }
0x68: {  	_ =	shalt  }

// kernel: sparse-core-data-format-call.1.cloned.1.call-start
scs
called_computation.1_lowered:
.L_overlay_start_0:
0x0: {  	s2 =	sld [smem:$0x3FD9]  }
0x1: {  	s3 =	sld [smem:$0x3FFE];
	_ =	sdelay $0x1  }
0x2: {  	s1 =	srdreg.scid  }
0x3: {  	s0 =	sand.u32 $0x1, s1  }
0x4: {  	s16 =	sshll.u32 s0, $0xA;
	s2 =	sadd.s32 s3, s2  }
0x5: {  	s2 =	sadd.s32 s2, s16  }
0x6: {  	[smem:$0x3FC5] =	sst s2  }
0x7: {  	_ = 	snop  }
0x8: {  	s2 =	sld [smem:$0x3FD0];
	_ =	sdelay $0x2  }
0x9: {  	s17 =	simm.s32 $0xB;
	s4 =	simm.s32 $0x10  }
0xa: {  	[smem:s4], [sflag:s17] =	dma.local [hbm:s2], $0x1  }
0xb: {  	_ =	swait.eq [sflag:s17], $0x1  }
0xc: {  	[sflag:s17] =	ssyncset.done $0x0  }
0xd: {  	[sflag:s17] =	ssyncadd.s32 $0xFFFFFFFF  }
0xe: {  	s18 =	sld [smem:$0x10];
	(tm) =	ssettm $0x1  }
0xf: {  	s19 =	sld [smem:$0x3FFB];
	_ =	sdelay $0x3  }
0x10: {  	_ =	strace s19  }
0x11: {  	s2 =	sld [smem:$0x3FFC];
	_ =	sdelay $0x3  }
0x12: {  	_ =	strace s2  }
0x13: {  	s2 =	sld [smem:$0x3FFD];
	_ =	sdelay $0x3  }
0x14: {  	_ =	strace s2  }
0x15: {  	_ =	strace $0x8FFFFFFF  }
0x16: {  	s20 =	sld [smem:$0x3FDB];
	_ =	sdelay $0x1  }
0x17: {  	s21 =	simm.s32 $_scs_section_size  }
0x18: {  	s5 =	simm.s32 $_size__tile_overlayer_lowered;
	s6 =	simm.s32 $_tile_overlayer_lowered  }
0x19: {  	s7 =	simm.s32 $0x1BFF;
	s22 =	sshll.u32 s6, $0x1;
	s4 =	sadd.s32 s21, s20  }
0x1a: {  	s23 =	simm.s32 $0x0;
	s5 =	sshll.u32 s5, $0x1;
	s6 =	sadd.s32 s22, s4  }
0x1b: {  	[timem:s23], [sflag:s7] =	dma.local [hbm:s6], s5  }
0x1c: {  	_ =	swait.ge [sflag:s7], s5  }
0x1d: {  	s5 =	ssub.s32 $0x0, s5;
	[sflag:s7] =	ssyncset.done $0x0  }
0x1e: {  	[sflag:s7] =	ssyncadd.s32 s5;
	_ =	sdelay $0x1  }
0x1f: {  	s24 =	simm.s32 $0x1B8B  }
0x20: {  	_ =	swait.ge [sflag:s24], $0x1  }
0x21: {  	[sflag:s24] =	ssyncset.done $0x0  }
0x22: {  	[sflag:s24] =	ssyncadd.s32 $0xFFFFFFFF  }
0x23: {  	s5 =	sld [smem:$0x0]  }
0x24: {  	s6 =	sand.u32 $0xFFFFFFFE, s1  }
0x25: {  	p0 =	sne.s32 s1, s6  }
0x26: {  	s6 =	sshll.u32 @p0 s6, $0xE  }
0x27: {  	s6 =	sadd.s32 @p0 $0x11B8D, s6;
	s7 =	sshll.u32 @p0 s5, $0x11  }
0x28: {  	s6 =	sor.u32 @p0 s7, s6  }
0x29: {  	[sflag:s6] =	ssyncadd.remote.s32 @p0 $0x1;
	_ =	sdelay $0x1  }
0x2a: {  	s6 =	simm.s32 @p0 $0x1B8D  }
0x2b: {  	_ =	swait.eq @p0 [sflag:s6], $0x1  }
0x2c: {  	[sflag:s6] =	ssyncadd.s32 @p0 $0xFFFFFFFF  }
0x2d: {  	s7 =	sshll.u32 @!p0 s1, $0xE  }
0x2e: {  	s7 =	sor.u32 @!p0 $0x4000, s7;
	s6 =	simm.s32 @!p0 $0x1B8D  }
0x2f: {  	s5 =	sshll.u32 @!p0 s5, $0x11;
	s7 =	sadd.s32 @!p0 $0x11B8D, s7;
	_ =	swait.eq @!p0 [sflag:s6], $0x1  }
0x30: {  	s5 =	sor.u32 @!p0 s5, s7;
	[sflag:s6] =	ssyncadd.s32 @!p0 $0xFFFFFFFF  }
0x31: {  	s26 =	simm.s32 $0x1B8E;
	s25 =	sld [smem:$0x3FFE];
	[sflag:s5] =	ssyncadd.remote.s32 @!p0 $0x1  }
0x32: {  	s27 =	simm.s32 $execute0_lowered;
	[smem:$0x3FD2] =	sst s26  }
0x33: {  	s6 =	sshll.u32 s27, $0x1;
	_ =	strace $0x8000004C;
	[dreg:$0x1] =	wrdreg $0xFFFFFFFF  }
0x34: {  	s28 =	simm.s32 $_size_execute0_lowered;
	s4 =	sadd.s32 s4, s6;
	[dreg:$0x0] =	wrdreg $0x0  }
0x35: {  	s6 =	sshll.u32 s28, $0x1;
	[dreg:$0x2] =	wrdreg s4  }
0x36: {  	[dreg:$0x3] =	wrdreg s6  }
0x37: {  	[dreg:$0x4] =	wrdreg $0xC0  }
0x38: {  	_ =	task [dreg:s23], $0x5FFFF  }
0x39: {  	[dreg:$0x1] =	wrdreg $0xFFFFFFFF  }
0x3a: {  	[dreg:$0x0] =	wrdreg $0x60  }
0x3b: {  	[dreg:$0x2] =	wrdreg s25  }
0x3c: {  	[dreg:$0x3] =	wrdreg s18  }
0x3d: {  	[dreg:$0x4] =	wrdreg $0x9  }
0x3e: {  	_ =	task.clear_ibuf [dreg:s23], $0x5FFFF;
	_ =	strace $0x9000004C  }
0x3f: {  	s29 =	simm.s32 $0x9;
	_ =	strace $0x8000004E  }
0x40: {  	_ =	swait.ge [sflag:s29], $0x1  }
0x41: {  	[sflag:s29] =	ssyncadd.s32 $0xFFFFFFFF  }
0x42: {  	_ =	strace $0x9000004E  }
0x43: {  	_ =	sfence  }
0x44: {  	s30 =	sld [smem:$0x0];
	_ =	sdelay $0x2  }
0x45: {  	s31 =	sshll.u32 s1, $0xD;
	s1 =	sshrl.u32 s1, $0x2  }
0x46: {  	s4 =	sand.u32 $0x4000, s31;
	s1 =	sadd.s32 s1, s30  }
0x47: {  	s0 =	sor.u32 s4, s0;
	s1 =	sshll.u32 s1, $0x11  }
0x48: {  	s0 =	sor.u32 s1, s0  }
0x49: {  	s0 =	sadd.s32 $0x8F2B, s0  }
0x4a: {  	[sflag:s0] =	ssyncadd.remote.s32 $0x1  }
0x4b: {  	_ =	sfence.sel $0xFFFF  }
0x4c: {  	[dreg:$0x0] =	wrdreg $0xFFFFFFFF;
	(pc) =	sbr.abs _section_cstart, $3  }
0x4d: {  	[dreg:$0x1] =	wrdreg $0xFFFFFFFF  }
0x4e: {  	_ =	task.clear_ibuf [dreg:s23], $0x2FFFF;
	_ =	strace $0x9FFFFFFF  }
0x4f: {  	(tm) =	ssettm $0x7FFFFFFF  }
tec
execute0_lowered:
.L_overlay_start_1:
0x0: {  	(tag) =	ssettag $0x1  }
0x1: {  	s0 =	srdreg.scid  }
0x2: {  	s1 =	sshll.u32 s0, $0x4  }
0x3: {  	s0 =	stileid.u32;
	s1 =	sand.u32 $0x10, s1  }
0x4: {  	s1 =	sor.u32 s0, s1  }
0x5: {  	s6 =	rddreg [dreg:$0x0];
	s4 =	simm.s32 $0x1;
	s2 =	sshll.u32 s1, $0x7  }
0x6: {  	s7 =	simm.s32 $0x2;
	s12 =	simm.s32 $0x0;
	s1 =	ssub.s32 $0x4000, s2  }
0x7: {  	s8 =	simm.s32 $0x20000;
	s13 =	simm.s32 $0x0;
	s3 =	sand.u32 $0xF80, s1  }
0x8: {  	s9 =	simm.s32 $0x0;
	s5 =	sshrl.u32 s1, $0xC;
	p0 =	sne.s32 s3, $0x0  }
.Ltmp0:
0x9: {  	s1 =	rddreg [dreg:$0x2];
	s4 =	simm.s32 @!p0 $0x0;
	(pc) =	sbr.rel .LBB1_1-.Ltmp0, $4  }
0xa: {  	s11 =	simm.s32 $0x0;
	s3 =	rddreg [dreg:$0x1];
	s5 =	sadd.s32 s4, s5  }
0xb: {  	_ =	strace $0x8000004D;
	s4 =	simm.s32 $0x1;
	s5 =	smul.u32 $0x14, s5  }
0xc: {  	s6 =	sadd.s32 $0xB000, s6;
	s10 =	smov.u32 s2;
	[sflag:s4] =	ssyncpa.u1 $0x0  }
0xd: {  	p0 =	por $0x0, $0x0;
	[sflag:s7] =	ssyncpa.u1 $0x0;
	s7 =	sor.u32 $0x1, s5  }
.LBB1_4:
0xe: {  	s16 =	sshll.u32 s13, $0x3;
	s17 =	sand.u32 $0x78, s13  }
0xf: {  	s30 =	sand.u32 $0x1F800, s13;
	s12 =	sshll.u32 s12, $0x11;
	s16 =	sand.u32 $0x3C00, s16  }
0x10: {  	[tilespmem:s15+$0x810 ss:$0x81] =	vst.msk $0xffff, v2;
	s31 =	sand.u32 $0x7, s13;
	s16 =	sor.u32 s17, s16;
	s17 =	sadd.s32 s3, s30  }
0x11: {  	[tilespmem:s15+$0x1020 ss:$0x81] =	vst.msk $0xffff, v0;
	s13 =	sshll.u32 s31, $0x12;
	s12 =	sadd.s32 s12, s17;
	s16 =	sshrl.u32 s16, $0x3  }
0x12: {  	[tilespmem:s15+$0x0 ss:$0x81] =	vst.msk $0xffff, v1;
	s13 =	sor.u32 $0x400, s13;
	s12 =	sadd.s32 s16, s12  }
0x13: {  	[hbm4b:s12+s13] =	stream.strided.scatter [tilespmem:s14], [sflag:$0x2], $0x2000, s8, s13, $0x20;
	[tilespmem:$0x8080] =	vst v63  }
.LBB1_5:
0x14: {  	s14 =	sadd.s32 $0x1, s9  }
0x15: {  	s12 =	sadd.s32 $0x1000, s10;
	s16 =	smov.u32 s10;
	p2 =	sgt.s32 s14, $0x13  }
0x16: {  	s16 =	smov.u32 @p2 s12  }
0x17: {  	s14 =	simm.s32 @p2 $0x0;
	p2 =	sgt.s32 s16, $0x3FFF  }
0x18: {  	s16 =	smov.u32 @p2 s2;
	p2 =	sne.s32 s11, s7  }
.Ltmp1:
0x19: {  	p1 =	slt.u32 s11, $0x2;
	(pc) =	sbr.rel @!p2 .LBB1_6-.Ltmp1, $4  }
0x1a: {  	s15 =	simm.s32 @!p1 $0x2  }
0x1b: {  	s13 =	smov.u32 s10;
	p0 =	por !p0, !p0;
	_ =	swait.ge @!p1 [sflag:s15], $0x2000  }
0x1c: {  	s12 =	smov.u32 s9;
	[sflag:s15] =	ssyncset.done @!p1 $0x0;
	s9 =	smov.u32 s14  }
0x1d: {  	s11 =	sadd.s32 $0x1, s11;
	[sflag:s15] =	ssyncadd.s32 @!p1 $0xFFFFE000;
	s10 =	smov.u32 s16  }
.LBB1_1:
0x1e: {  	p1 =	sge.u32 s11, s5  }
0x1f: {  	s14 =	sand.u32 @!p1 $0x1FFFFFF, s9  }
0x20: {  	s15 =	smulhi.u32 @!p1 $0xAAAAAAB, s14;
	_ =	sdelay $0x1  }
0x21: {  	s15 =	smul.u32 @!p1 $0x18, s15  }
0x22: {  	s16 =	sxor.u32 @!p1 $0xFFFFFFFF, s11;
	s17 =	smul.u32 @!p1 $0x180, s10  }
0x23: {  	s31 =	sadd.s32 $0xFFFFFFFF, s11;
	s16 =	sshll.u32 @!p1 s16, $0xD;
	s14 =	ssub.s32 @!p1 s14, s15  }
0x24: {  	s15 =	sand.u32 @!p1 $0x2000, s16;
	s16 =	sadd.s32 @!p1 s6, s17;
	s14 =	sshll.u32 @!p1 s14, $0x4  }
0x25: {  	s17 =	simm.s32 @!p1 $0xC00;
	s14 =	sadd.s32 @!p1 s14, s16;
	s16 =	simm.s32 @!p1 $0x40  }
0x26: {  	[tilespmem:s15], [sflag:$0x1] =	stream.strided.gather @!p1 [hbm4b:s14+s16], $0x2000, s17, s16, $0x38;
	[tilespmem:$0x8080] =	vst v63  }
0x27: {  	p1 =	sge.u32 s31, s5  }
.Ltmp2:
0x28: {  	_ = 	snop;
	(pc) =	sbr.rel @p1 .LBB1_5-.Ltmp2, $1  }
0x29: {  	_ =	sdelay $0x3  }
0x2a: {  	s14 =	simm.s32 $0x1  }
0x2b: {  	_ =	swait.ge [sflag:s4], $0x2000;
	s14 =	simm.s32 @!p0 $0x0  }
0x2c: {  	[sflag:s4] =	ssyncset.done $0x0;
	s15 =	sshll.u32 s14, $0xD  }
0x2d: {  	[sflag:s4] =	ssyncadd.s32 $0xFFFFE000;
	s18 =	sor.u32 $0x20, s15  }
0x2e: {  	s14 =	smul.u32 $0x8100, s14;
	v3 =	vld [tilespmem:s18+$0x10]  }
0x2f: {  	s30 =	sand.u32 $0x1, s11;
	v2 =	vld [tilespmem:s18+$0xFFFFFFF0]  }
0x30: {  	s15 =	smul.u32 $0x8100, s30;
	s14 =	sshrl.u32 s14, $0x2;
	v0 =	vld [tilespmem:s18+$0x0]  }
0x31: {  	v1 =	vld [tilespmem:s18+$0xFFFFFFE0];
	s16 =	sor.u32 $0x4000, s14  }
0x32: {  	s31 =	sshrl.u32 s15, $0x2;
	s15 =	sadd.s32 $0x0, s16  }
0x33: {  	s17 =	simm.s32 $0x4;
	s18 =	sadd.s32 $0x40, s18;
	s14 =	sor.u32 $0x4000, s31;
	[tilespmem:s15+$0x1830 ss:$0x81] =	vst.msk $0xffff, v3  }
.LBB1_3:
0x34: {  	v3 =	vld [tilespmem:s18+$0x10];
	p1 =	sne.s32 s17, $0x1FC;
	[tilespmem:s15+$0x810 ss:$0x81] =	vst.msk $0xffff, v2;
	s19 =	smov.u32 s17;
	s17 =	sadd.s32 $0x4, s17  }
.Ltmp3:
0x35: {  	v2 =	vld [tilespmem:s18+$0xFFFFFFF0];
	[tilespmem:s15+$0x1020 ss:$0x81] =	vst.msk $0xffff, v0;
	(pc) =	sbr.rel @p1 .LBB1_3-.Ltmp3, $4  }
0x36: {  	v0 =	vld [tilespmem:s18+$0x0];
	[tilespmem:s15+$0x0 ss:$0x81] =	vst.msk $0xffff, v1  }
0x37: {  	s15 =	sshra.s32 s19, $0x2;
	v1 =	vld [tilespmem:s18+$0xFFFFFFE0]  }
0x38: {  	s15 =	sadd.s32 s15, s16  }
0x39: {  	s18 =	sadd.s32 $0x40, s18;
	[tilespmem:s15+$0x1830 ss:$0x81] =	vst.msk $0xffff, v3  }
.Ltmp4:
0x3a: {  	_ = 	snop;
	(pc) =	sbr.rel .LBB1_4-.Ltmp4, $1  }
0x3b: {  	_ =	sdelay $0x3  }
.LBB1_6:
0x3c: {  	_ =	sfence.sel $0x180000  }
0x3d: {  	s2 =	simm.s32 $0x1;
	[bflag:$0x0] =	sbarrier.arrive $0xFFFF  }
0x3e: {  	s31 =	simm.s32 $0x2;
	[sflag:s2] =	ssyncpa.u1 $0x1  }
0x3f: {  	[sflag:s31] =	ssyncpa.u1 $0x1  }
0x40: {  	p0 =	sne.s32 s0, $0x0;
	_ =	strace $0x9000004D  }
0x41: {  	s0 =	sadd.s32 @!p0 $0x100000, s1;
	[bflag:$0x2] =	sbarrier.arrive $0xFFFF  }
0x42: {  	[sflag:s0] =	ssyncadd.tile.s32 @!p0 $0x1;
	_ =	shalt  }
.Lfunc_end1:
_tile_overlayer_lowered:
.L_overlay_start_2:
0x43: {  	(tag) =	ssettag $0x2  }
0x44: {  	s0 =	rddreg [dreg:$0x0];
	s2 =	stileid.u32  }
0x45: {  	s1 =	rddreg [dreg:$0x1];
	p0 =	sne.s32 s2, $0x0  }
0x46: {  	s3 =	rddreg [dreg:$0x2];
	[bflag:$0x3] =	sbarrier.arrive $0xFFFF;
	s2 =	simm.s32 @!p0 $0x1C01  }
0x47: {  	[timem:s3], [sflag:s2] =	dma.local @!p0 [hbm:s0], s1  }
0x48: {  	s0 =	simm.s32 @!p0 $0x1  }
0x49: {  	_ =	swait.ge @!p0 [sflag:s0], s1  }
0x4a: {  	s1 =	ssub.s32 @!p0 $0x0, s1;
	[sflag:s0] =	ssyncset.done @!p0 $0x0  }
0x4b: {  	[sflag:s0] =	ssyncadd.s32 @!p0 s1  }
0x4c: {  	[bflag:$0x3] =	sbarrier.arrive $0xFFFF  }
0x4d: {  	_ =	shalt  }

// kernel: sparse-core-data-format-call.cloned.1.call-start
scs
called_computation_lowered:
.L_overlay_start_0:
0x0: {  	s2 =	sld [smem:$0x3FD9]  }
0x1: {  	s3 =	sld [smem:$0x3FFE];
	_ =	sdelay $0x1  }
0x2: {  	s1 =	srdreg.scid  }
0x3: {  	s0 =	sand.u32 $0x1, s1  }
0x4: {  	s16 =	sshll.u32 s0, $0xA;
	s2 =	sadd.s32 s3, s2  }
0x5: {  	s2 =	sadd.s32 s2, s16  }
0x6: {  	[smem:$0x3FC5] =	sst s2  }
0x7: {  	_ = 	snop  }
0x8: {  	s2 =	sld [smem:$0x3FD0];
	_ =	sdelay $0x2  }
0x9: {  	s17 =	simm.s32 $0xB;
	s4 =	simm.s32 $0x10  }
0xa: {  	[smem:s4], [sflag:s17] =	dma.local [hbm:s2], $0x1  }
0xb: {  	_ =	swait.eq [sflag:s17], $0x1  }
0xc: {  	[sflag:s17] =	ssyncset.done $0x0  }
0xd: {  	[sflag:s17] =	ssyncadd.s32 $0xFFFFFFFF  }
0xe: {  	s18 =	sld [smem:$0x11];
	(tm) =	ssettm $0x1  }
0xf: {  	s19 =	sld [smem:$0x3FFB];
	_ =	sdelay $0x3  }
0x10: {  	_ =	strace s19  }
0x11: {  	s2 =	sld [smem:$0x3FFC];
	_ =	sdelay $0x3  }
0x12: {  	_ =	strace s2  }
0x13: {  	s2 =	sld [smem:$0x3FFD];
	_ =	sdelay $0x3  }
0x14: {  	_ =	strace s2  }
0x15: {  	_ =	strace $0x8FFFFFFF  }
0x16: {  	s20 =	sld [smem:$0x3FDB];
	_ =	sdelay $0x1  }
0x17: {  	s21 =	simm.s32 $_scs_section_size  }
0x18: {  	s5 =	simm.s32 $_size__tile_overlayer_lowered;
	s6 =	simm.s32 $_tile_overlayer_lowered  }
0x19: {  	s7 =	simm.s32 $0x1BFF;
	s22 =	sshll.u32 s6, $0x1;
	s4 =	sadd.s32 s21, s20  }
0x1a: {  	s23 =	simm.s32 $0x0;
	s5 =	sshll.u32 s5, $0x1;
	s6 =	sadd.s32 s22, s4  }
0x1b: {  	[timem:s23], [sflag:s7] =	dma.local [hbm:s6], s5  }
0x1c: {  	_ =	swait.ge [sflag:s7], s5  }
0x1d: {  	s5 =	ssub.s32 $0x0, s5;
	[sflag:s7] =	ssyncset.done $0x0  }
0x1e: {  	[sflag:s7] =	ssyncadd.s32 s5;
	_ =	sdelay $0x1  }
0x1f: {  	s24 =	simm.s32 $0x1B8B  }
0x20: {  	_ =	swait.ge [sflag:s24], $0x1  }
0x21: {  	[sflag:s24] =	ssyncset.done $0x0  }
0x22: {  	[sflag:s24] =	ssyncadd.s32 $0xFFFFFFFF  }
0x23: {  	s5 =	sld [smem:$0x0]  }
0x24: {  	s6 =	sand.u32 $0xFFFFFFFE, s1  }
0x25: {  	p0 =	sne.s32 s1, s6  }
0x26: {  	s6 =	sshll.u32 @p0 s6, $0xE  }
0x27: {  	s6 =	sadd.s32 @p0 $0x11B8D, s6;
	s7 =	sshll.u32 @p0 s5, $0x11  }
0x28: {  	s6 =	sor.u32 @p0 s7, s6  }
0x29: {  	[sflag:s6] =	ssyncadd.remote.s32 @p0 $0x1;
	_ =	sdelay $0x1  }
0x2a: {  	s6 =	simm.s32 @p0 $0x1B8D  }
0x2b: {  	_ =	swait.eq @p0 [sflag:s6], $0x1  }
0x2c: {  	[sflag:s6] =	ssyncadd.s32 @p0 $0xFFFFFFFF  }
0x2d: {  	s7 =	sshll.u32 @!p0 s1, $0xE  }
0x2e: {  	s7 =	sor.u32 @!p0 $0x4000, s7;
	s6 =	simm.s32 @!p0 $0x1B8D  }
0x2f: {  	s5 =	sshll.u32 @!p0 s5, $0x11;
	s7 =	sadd.s32 @!p0 $0x11B8D, s7;
	_ =	swait.eq @!p0 [sflag:s6], $0x1  }
0x30: {  	s5 =	sor.u32 @!p0 s5, s7;
	[sflag:s6] =	ssyncadd.s32 @!p0 $0xFFFFFFFF  }
0x31: {  	s26 =	simm.s32 $0x1B8E;
	s25 =	sld [smem:$0x3FFE];
	[sflag:s5] =	ssyncadd.remote.s32 @!p0 $0x1  }
0x32: {  	s27 =	simm.s32 $execute0_lowered;
	[smem:$0x3FD2] =	sst s26  }
0x33: {  	s6 =	sshll.u32 s27, $0x1;
	_ =	strace $0x8000004F;
	[dreg:$0x1] =	wrdreg $0xFFFFFFFF  }
0x34: {  	s28 =	simm.s32 $_size_execute0_lowered;
	s4 =	sadd.s32 s4, s6;
	[dreg:$0x0] =	wrdreg $0x0  }
0x35: {  	s6 =	sshll.u32 s28, $0x1;
	[dreg:$0x2] =	wrdreg s4  }
0x36: {  	[dreg:$0x3] =	wrdreg s6  }
0x37: {  	[dreg:$0x4] =	wrdreg $0xC0  }
0x38: {  	_ =	task [dreg:s23], $0x5FFFF  }
0x39: {  	[dreg:$0x1] =	wrdreg $0xFFFFFFFF  }
0x3a: {  	[dreg:$0x0] =	wrdreg $0x60  }
0x3b: {  	[dreg:$0x2] =	wrdreg s25  }
0x3c: {  	[dreg:$0x3] =	wrdreg s18  }
0x3d: {  	[dreg:$0x4] =	wrdreg $0xA  }
0x3e: {  	_ =	task.clear_ibuf [dreg:s23], $0x5FFFF;
	_ =	strace $0x9000004F  }
0x3f: {  	s29 =	simm.s32 $0xA;
	_ =	strace $0x80000051  }
0x40: {  	_ =	swait.ge [sflag:s29], $0x1  }
0x41: {  	[sflag:s29] =	ssyncadd.s32 $0xFFFFFFFF  }
0x42: {  	_ =	strace $0x90000051  }
0x43: {  	_ =	sfence  }
0x44: {  	s30 =	sld [smem:$0x0];
	_ =	sdelay $0x2  }
0x45: {  	s31 =	sshll.u32 s1, $0xD;
	s1 =	sshrl.u32 s1, $0x2  }
0x46: {  	s4 =	sand.u32 $0x4000, s31;
	s1 =	sadd.s32 s1, s30  }
0x47: {  	s0 =	sor.u32 s4, s0;
	s1 =	sshll.u32 s1, $0x11  }
0x48: {  	s0 =	sor.u32 s1, s0  }
0x49: {  	s0 =	sadd.s32 $0x8F2B, s0  }
0x4a: {  	[sflag:s0] =	ssyncadd.remote.s32 $0x1  }
0x4b: {  	_ =	sfence.sel $0xFFFF  }
0x4c: {  	[dreg:$0x0] =	wrdreg $0xFFFFFFFF;
	(pc) =	sbr.abs _section_cstart, $3  }
0x4d: {  	[dreg:$0x1] =	wrdreg $0xFFFFFFFF  }
0x4e: {  	_ =	task.clear_ibuf [dreg:s23], $0x2FFFF;
	_ =	strace $0x9FFFFFFF  }
0x4f: {  	(tm) =	ssettm $0x7FFFFFFF  }
tec
execute0_lowered:
.L_overlay_start_1:
0x0: {  	(tag) =	ssettag $0x1  }
0x1: {  	s0 =	srdreg.scid  }
0x2: {  	s1 =	sshll.u32 s0, $0x4  }
0x3: {  	s0 =	stileid.u32;
	s1 =	sand.u32 $0x10, s1  }
0x4: {  	s1 =	sor.u32 s0, s1  }
0x5: {  	s6 =	rddreg [dreg:$0x0];
	s4 =	simm.s32 $0x1;
	s2 =	sshll.u32 s1, $0x7  }
0x6: {  	s7 =	simm.s32 $0x2;
	s12 =	simm.s32 $0x0;
	s1 =	ssub.s32 $0x4000, s2  }
0x7: {  	s8 =	simm.s32 $0x20000;
	s13 =	simm.s32 $0x0;
	s3 =	sand.u32 $0xF80, s1  }
0x8: {  	s9 =	simm.s32 $0x0;
	s5 =	sshrl.u32 s1, $0xC;
	p0 =	sne.s32 s3, $0x0  }
.Ltmp0:
0x9: {  	s1 =	rddreg [dreg:$0x2];
	s4 =	simm.s32 @!p0 $0x0;
	(pc) =	sbr.rel .LBB1_1-.Ltmp0, $4  }
0xa: {  	s11 =	simm.s32 $0x0;
	s3 =	rddreg [dreg:$0x1];
	s5 =	sadd.s32 s4, s5  }
0xb: {  	_ =	strace $0x80000050;
	s4 =	simm.s32 $0x1;
	s5 =	smul.u32 $0x14, s5  }
0xc: {  	s6 =	sadd.s32 $0x60B000, s6;
	s10 =	smov.u32 s2;
	[sflag:s4] =	ssyncpa.u1 $0x0  }
0xd: {  	p0 =	por $0x0, $0x0;
	[sflag:s7] =	ssyncpa.u1 $0x0;
	s7 =	sor.u32 $0x1, s5  }
.LBB1_4:
0xe: {  	s16 =	sshll.u32 s13, $0x3;
	s17 =	sand.u32 $0x78, s13  }
0xf: {  	s30 =	sand.u32 $0x1F800, s13;
	s12 =	sshll.u32 s12, $0x11;
	s16 =	sand.u32 $0x3C00, s16  }
0x10: {  	[tilespmem:s15+$0x810 ss:$0x81] =	vst.msk $0xffff, v2;
	s31 =	sand.u32 $0x7, s13;
	s16 =	sor.u32 s17, s16;
	s17 =	sadd.s32 s3, s30  }
0x11: {  	[tilespmem:s15+$0x1020 ss:$0x81] =	vst.msk $0xffff, v0;
	s13 =	sshll.u32 s31, $0x12;
	s12 =	sadd.s32 s12, s17;
	s16 =	sshrl.u32 s16, $0x3  }
0x12: {  	[tilespmem:s15+$0x0 ss:$0x81] =	vst.msk $0xffff, v1;
	s13 =	sor.u32 $0x400, s13;
	s12 =	sadd.s32 s16, s12  }
0x13: {  	[hbm4b:s12+s13] =	stream.strided.scatter [tilespmem:s14], [sflag:$0x2], $0x2000, s8, s13, $0x20;
	[tilespmem:$0x8080] =	vst v63  }
.LBB1_5:
0x14: {  	s14 =	sadd.s32 $0x1, s9  }
0x15: {  	s12 =	sadd.s32 $0x1000, s10;
	s16 =	smov.u32 s10;
	p2 =	sgt.s32 s14, $0x13  }
0x16: {  	s16 =	smov.u32 @p2 s12  }
0x17: {  	s14 =	simm.s32 @p2 $0x0;
	p2 =	sgt.s32 s16, $0x3FFF  }
0x18: {  	s16 =	smov.u32 @p2 s2;
	p2 =	sne.s32 s11, s7  }
.Ltmp1:
0x19: {  	p1 =	slt.u32 s11, $0x2;
	(pc) =	sbr.rel @!p2 .LBB1_6-.Ltmp1, $4  }
0x1a: {  	s15 =	simm.s32 @!p1 $0x2  }
0x1b: {  	s13 =	smov.u32 s10;
	p0 =	por !p0, !p0;
	_ =	swait.ge @!p1 [sflag:s15], $0x2000  }
0x1c: {  	s12 =	smov.u32 s9;
	[sflag:s15] =	ssyncset.done @!p1 $0x0;
	s9 =	smov.u32 s14  }
0x1d: {  	s11 =	sadd.s32 $0x1, s11;
	[sflag:s15] =	ssyncadd.s32 @!p1 $0xFFFFE000;
	s10 =	smov.u32 s16  }
.LBB1_1:
0x1e: {  	p1 =	sge.u32 s11, s5  }
0x1f: {  	s14 =	sand.u32 @!p1 $0x1FFFFFF, s9  }
0x20: {  	s15 =	smulhi.u32 @!p1 $0xAAAAAAB, s14;
	_ =	sdelay $0x1  }
0x21: {  	s15 =	smul.u32 @!p1 $0x18, s15  }
0x22: {  	s16 =	sxor.u32 @!p1 $0xFFFFFFFF, s11;
	s17 =	smul.u32 @!p1 $0x180, s10  }
0x23: {  	s31 =	sadd.s32 $0xFFFFFFFF, s11;
	s16 =	sshll.u32 @!p1 s16, $0xD;
	s14 =	ssub.s32 @!p1 s14, s15  }
0x24: {  	s15 =	sand.u32 @!p1 $0x2000, s16;
	s16 =	sadd.s32 @!p1 s6, s17;
	s14 =	sshll.u32 @!p1 s14, $0x4  }
0x25: {  	s17 =	simm.s32 @!p1 $0xC00;
	s14 =	sadd.s32 @!p1 s14, s16;
	s16 =	simm.s32 @!p1 $0x40  }
0x26: {  	[tilespmem:s15], [sflag:$0x1] =	stream.strided.gather @!p1 [hbm4b:s14+s16], $0x2000, s17, s16, $0x38;
	[tilespmem:$0x8080] =	vst v63  }
0x27: {  	p1 =	sge.u32 s31, s5  }
.Ltmp2:
0x28: {  	_ = 	snop;
	(pc) =	sbr.rel @p1 .LBB1_5-.Ltmp2, $1  }
0x29: {  	_ =	sdelay $0x3  }
0x2a: {  	s14 =	simm.s32 $0x1  }
0x2b: {  	_ =	swait.ge [sflag:s4], $0x2000;
	s14 =	simm.s32 @!p0 $0x0  }
0x2c: {  	[sflag:s4] =	ssyncset.done $0x0;
	s15 =	sshll.u32 s14, $0xD  }
0x2d: {  	[sflag:s4] =	ssyncadd.s32 $0xFFFFE000;
	s18 =	sor.u32 $0x20, s15  }
0x2e: {  	s14 =	smul.u32 $0x8100, s14;
	v3 =	vld [tilespmem:s18+$0x10]  }
0x2f: {  	s30 =	sand.u32 $0x1, s11;
	v2 =	vld [tilespmem:s18+$0xFFFFFFF0]  }
0x30: {  	s15 =	smul.u32 $0x8100, s30;
	s14 =	sshrl.u32 s14, $0x2;
	v0 =	vld [tilespmem:s18+$0x0]  }
0x31: {  	v1 =	vld [tilespmem:s18+$0xFFFFFFE0];
	s16 =	sor.u32 $0x4000, s14  }
0x32: {  	s31 =	sshrl.u32 s15, $0x2;
	s15 =	sadd.s32 $0x0, s16  }
0x33: {  	s17 =	simm.s32 $0x4;
	s18 =	sadd.s32 $0x40, s18;
	s14 =	sor.u32 $0x4000, s31;
	[tilespmem:s15+$0x1830 ss:$0x81] =	vst.msk $0xffff, v3  }
.LBB1_3:
0x34: {  	v3 =	vld [tilespmem:s18+$0x10];
	p1 =	sne.s32 s17, $0x1FC;
	[tilespmem:s15+$0x810 ss:$0x81] =	vst.msk $0xffff, v2;
	s19 =	smov.u32 s17;
	s17 =	sadd.s32 $0x4, s17  }
.Ltmp3:
0x35: {  	v2 =	vld [tilespmem:s18+$0xFFFFFFF0];
	[tilespmem:s15+$0x1020 ss:$0x81] =	vst.msk $0xffff, v0;
	(pc) =	sbr.rel @p1 .LBB1_3-.Ltmp3, $4  }
0x36: {  	v0 =	vld [tilespmem:s18+$0x0];
	[tilespmem:s15+$0x0 ss:$0x81] =	vst.msk $0xffff, v1  }
0x37: {  	s15 =	sshra.s32 s19, $0x2;
	v1 =	vld [tilespmem:s18+$0xFFFFFFE0]  }
0x38: {  	s15 =	sadd.s32 s15, s16  }
0x39: {  	s18 =	sadd.s32 $0x40, s18;
	[tilespmem:s15+$0x1830 ss:$0x81] =	vst.msk $0xffff, v3  }
.Ltmp4:
0x3a: {  	_ = 	snop;
	(pc) =	sbr.rel .LBB1_4-.Ltmp4, $1  }
0x3b: {  	_ =	sdelay $0x3  }
.LBB1_6:
0x3c: {  	_ =	sfence.sel $0x180000  }
0x3d: {  	s2 =	simm.s32 $0x1;
	[bflag:$0x0] =	sbarrier.arrive $0xFFFF  }
0x3e: {  	s31 =	simm.s32 $0x2;
	[sflag:s2] =	ssyncpa.u1 $0x1  }
0x3f: {  	[sflag:s31] =	ssyncpa.u1 $0x1  }
0x40: {  	p0 =	sne.s32 s0, $0x0;
	_ =	strace $0x90000050  }
0x41: {  	s0 =	sadd.s32 @!p0 $0x100000, s1;
	[bflag:$0x2] =	sbarrier.arrive $0xFFFF  }
0x42: {  	[sflag:s0] =	ssyncadd.tile.s32 @!p0 $0x1;
	_ =	shalt  }
.Lfunc_end1:
_tile_overlayer_lowered:
.L_overlay_start_2:
0x43: {  	(tag) =	ssettag $0x2  }
0x44: {  	s0 =	rddreg [dreg:$0x0];
	s2 =	stileid.u32  }
0x45: {  	s1 =	rddreg [dreg:$0x1];
	p0 =	sne.s32 s2, $0x0  }
0x46: {  	s3 =	rddreg [dreg:$0x2];
	[bflag:$0x3] =	sbarrier.arrive $0xFFFF;
	s2 =	simm.s32 @!p0 $0x1C01  }
0x47: {  	[timem:s3], [sflag:s2] =	dma.local @!p0 [hbm:s0], s1  }
0x48: {  	s0 =	simm.s32 @!p0 $0x1  }
0x49: {  	_ =	swait.ge @!p0 [sflag:s0], s1  }
0x4a: {  	s1 =	ssub.s32 @!p0 $0x0, s1;
	[sflag:s0] =	ssyncset.done @!p0 $0x0  }
0x4b: {  	[sflag:s0] =	ssyncadd.s32 @!p0 s1  }
0x4c: {  	[bflag:$0x3] =	sbarrier.arrive $0xFFFF  }
0x4d: {  	_ =	shalt  }

</sc_bundles>
